<compile_context>
chip_gen: v7x
topology: tpu7x:2x2x1
jax: 0.10.2.dev20260603
libtpu: 0.0.44.dev20260713+nightly
codegen_flags: <defaults>
</compile_context>

<pallas_src>
import functools

import jax
import jax.numpy as jnp
from jax import lax
from jax.experimental import pallas as pl
from jax.experimental.pallas import tpu as pltpu
from jax.experimental.pallas import tpu_sc as plsc

_B, _S, _D, _H, _HD, _I = 4, 2048, 2048, 16, 128, 5504
_CAP = _S // 8
_T = _B * _CAP
_EPS = 1e-6
_THETA = 1000000.0

_NC, _NS = 2, 16
_NW = _NC * _NS



def _sc_gather_rows(table, idx):
    bpw = _T // _NW
    mesh = plsc.VectorSubcoreMesh(core_axis_name="c", subcore_axis_name="s")

    @functools.partial(
        pl.kernel,
        mesh=mesh,
        out_type=jax.ShapeDtypeStruct((_T, _D), jnp.float32),
        scratch_types=[
            pltpu.VMEM((bpw,), jnp.int32),
            pltpu.VMEM((bpw, _D), jnp.float32),
            pltpu.SemaphoreType.DMA,
        ],
    )
    def gather_kernel(table_hbm, idx_hbm, out_hbm, idx_v, rows_v, sem):
        wid = lax.axis_index("s") * _NC + lax.axis_index("c")
        base = wid * bpw
        pltpu.sync_copy(idx_hbm.at[pl.ds(base, bpw)], idx_v)
        pltpu.async_copy(table_hbm.at[idx_v], rows_v, sem).wait()
        pltpu.sync_copy(rows_v, out_hbm.at[pl.ds(base, bpw)])

    return gather_kernel(table, idx)


def _sc_scatter_rows(dest, rows, idx):
    rows_per_core = (_B * _S) // _NC
    rows_per_tile = rows_per_core // _NS
    sel_per_core = _T // _NC
    sel_per_tile = sel_per_core // _NS
    mesh = plsc.VectorSubcoreMesh(core_axis_name="c", subcore_axis_name="s")

    @functools.partial(
        pl.kernel,
        mesh=mesh,
        out_type=jax.ShapeDtypeStruct((_B * _S, _D), jnp.float32),
        scratch_types=[
            pltpu.VMEM((sel_per_tile,), jnp.int32),
            pltpu.VMEM((sel_per_tile, _D), jnp.float32),
            pltpu.SemaphoreType.DMA,
        ],
    )
    def scatter_kernel(dest_hbm, rows_hbm, idx_hbm, out_hbm, idx_v, rows_v, sem):
        c = lax.axis_index("c")
        s = lax.axis_index("s")
        copy_base = c * rows_per_core + s * rows_per_tile
        for j in range(rows_per_tile // sel_per_tile):
            off = copy_base + j * sel_per_tile
            pltpu.sync_copy(dest_hbm.at[pl.ds(off, sel_per_tile)], rows_v)
            pltpu.sync_copy(rows_v, out_hbm.at[pl.ds(off, sel_per_tile)])
        plsc.subcore_barrier()
        sel_base = c * sel_per_core + s * sel_per_tile
        pltpu.sync_copy(idx_hbm.at[pl.ds(sel_base, sel_per_tile)], idx_v)
        pltpu.sync_copy(rows_hbm.at[pl.ds(sel_base, sel_per_tile)], rows_v)
        pltpu.async_copy(rows_v, out_hbm.at[idx_v], sem).wait()

    return scatter_kernel(dest, rows, idx)



def _rot_mat(bn):
    import numpy as np
    r = np.zeros((_HD, _HD), np.float32)
    half = _HD // 2
    for j in range(half):
        r[j + half, j] = -1.0
        r[j, j + half] = 1.0
    blocks = [r] * (bn // _HD)
    big = np.zeros((bn, bn), np.float32)
    for i, blk in enumerate(blocks):
        big[i * _HD:(i + 1) * _HD, i * _HD:(i + 1) * _HD] = blk
    return jnp.asarray(big, jnp.bfloat16)


def _rms_qkv(x, lnw, wq, bq, wk, bk, wv, bv, pos, bn):

    def body(x_ref, lnw_ref, wq_ref, bq_ref, wk_ref, bk_ref, wv_ref, bv_ref,
             pos_ref, r_ref, q_ref, k_ref, v_ref):
        xv = x_ref[...]
        h = xv * lax.rsqrt(jnp.mean(xv * xv, axis=-1, keepdims=True) + _EPS)
        hb = (h * lnw_ref[...]).astype(jnp.bfloat16)

        pos_f = pos_ref[...].astype(jnp.float32)
        j = lax.broadcasted_iota(jnp.int32, (1, _HD), 1)
        m = (j & (_HD // 2 - 1)).astype(jnp.float32)
        inv = jnp.exp(m * (-2.0 * jnp.log(_THETA) / _HD))
        ang = pos_f * inv
        cos = jnp.cos(ang)[:, None, :]
        sin = jnp.sin(ang)[:, None, :]
        nh = bn // _HD

        def proj(w_ref, b_ref, rope, scale=1.0):
            y = jnp.dot(hb, w_ref[...].astype(jnp.bfloat16),
                        preferred_element_type=jnp.float32) + b_ref[...]
            if not rope:
                return (y * scale).astype(jnp.bfloat16)
            rot = jnp.dot(y.astype(jnp.bfloat16), r_ref[...],
                          preferred_element_type=jnp.float32)
            y3 = y.reshape(_T, nh, _HD)
            r3 = rot.reshape(_T, nh, _HD)
            return (scale * (y3 * cos + r3 * sin)).reshape(_T, bn).astype(jnp.bfloat16)

        q_ref[...] = proj(wq_ref, bq_ref, True, scale=1.0 / float(_HD) ** 0.5)
        k_ref[...] = proj(wk_ref, bk_ref, True)
        v_ref[...] = proj(wv_ref, bv_ref, False)

    wspec = pl.BlockSpec((_D, bn), lambda i: (0, i))
    bspec = pl.BlockSpec((1, bn), lambda i: (0, i))
    ospec = pl.BlockSpec((_T, bn), lambda i: (0, i))
    oshape = jax.ShapeDtypeStruct((_T, _H * _HD), jnp.bfloat16)
    return pl.pallas_call(
        body,
        grid=((_H * _HD) // bn,),
        in_specs=[
            pl.BlockSpec((_T, _D), lambda i: (0, 0)),
            pl.BlockSpec((1, _D), lambda i: (0, 0)),
            wspec, bspec, wspec, bspec, wspec, bspec,
            pl.BlockSpec((_T, 1), lambda i: (0, 0)),
            pl.BlockSpec((bn, bn), lambda i: (0, 0)),
        ],
        out_specs=[ospec, ospec, ospec],
        out_shape=[oshape, oshape, oshape],
    )(x, lnw, wq, bq, wk, bk, wv, bv, pos, _rot_mat(bn))


def _attention(q, k, v):

    def body(q_ref, k_ref, v_ref, o_ref):
        s = lax.dot_general(q_ref[...], k_ref[...],
                            (((1,), (1,)), ((), ())),
                            preferred_element_type=jnp.float32)
        ri = lax.broadcasted_iota(jnp.int32, (_T, _T), 0)
        ci = lax.broadcasted_iota(jnp.int32, (_T, _T), 1)
        s = s + jnp.where(ci <= ri, 0.0, -1e9)
        mx = jnp.max(s, axis=-1, keepdims=True)
        e = jnp.exp(s - mx)
        p = (e / jnp.sum(e, axis=-1, keepdims=True)).astype(jnp.bfloat16)
        o_ref[...] = jnp.dot(p, v_ref[...],
                             preferred_element_type=jnp.float32
                             ).astype(jnp.bfloat16)

    spec = pl.BlockSpec((_T, _HD), lambda h: (0, h))
    return pl.pallas_call(
        body,
        grid=(_H,),
        in_specs=[spec, spec, spec],
        out_specs=spec,
        out_shape=jax.ShapeDtypeStruct((_T, _H * _HD), jnp.bfloat16),
    )(q, k, v)


def _matmul_add(x, w, res, bn):
    kdim, n = w.shape

    def body(x_ref, w_ref, r_ref, o_ref):
        o_ref[...] = jnp.dot(x_ref[...].astype(jnp.bfloat16),
                             w_ref[...].astype(jnp.bfloat16),
                             preferred_element_type=jnp.float32) + r_ref[...]

    return pl.pallas_call(
        body,
        grid=(n // bn,),
        in_specs=[
            pl.BlockSpec((_T, kdim), lambda i: (0, 0)),
            pl.BlockSpec((kdim, bn), lambda i: (0, i)),
            pl.BlockSpec((_T, bn), lambda i: (0, i)),
        ],
        out_specs=pl.BlockSpec((_T, bn), lambda i: (0, i)),
        out_shape=jax.ShapeDtypeStruct((_T, n), jnp.float32),
    )(x, w, res)


def _gate_up(h1, lnw, wg, wu, bm, bn):

    def body(x_ref, lnw_ref, wg_ref, wu_ref, o_ref):
        xv = x_ref[...]
        h = xv * lax.rsqrt(jnp.mean(xv * xv, axis=-1, keepdims=True) + _EPS)
        hb = (h * lnw_ref[...]).astype(jnp.bfloat16)
        g = jnp.dot(hb, wg_ref[...].astype(jnp.bfloat16),
                    preferred_element_type=jnp.float32)
        u = jnp.dot(hb, wu_ref[...].astype(jnp.bfloat16),
                    preferred_element_type=jnp.float32)
        o_ref[...] = ((g * jax.nn.sigmoid(g)) * u).astype(jnp.bfloat16)

    return pl.pallas_call(
        body,
        grid=(_T // bm, pl.cdiv(_I, bn)),
        in_specs=[
            pl.BlockSpec((bm, _D), lambda i, j: (i, 0)),
            pl.BlockSpec((1, _D), lambda i, j: (0, 0)),
            pl.BlockSpec((_D, bn), lambda i, j: (0, j)),
            pl.BlockSpec((_D, bn), lambda i, j: (0, j)),
        ],
        out_specs=pl.BlockSpec((bm, bn), lambda i, j: (i, j)),
        out_shape=jax.ShapeDtypeStruct((_T, _I), jnp.bfloat16),
    )(h1, lnw, wg, wu)


def _down_add(act, wd, res, bn):

    def body(a_ref, w_ref, r_ref, o_ref):
        o_ref[...] = jnp.dot(a_ref[...], w_ref[...].astype(jnp.bfloat16),
                             preferred_element_type=jnp.float32) + r_ref[...]

    return pl.pallas_call(
        body,
        grid=(_D // bn,),
        in_specs=[
            pl.BlockSpec((_T, _I), lambda i: (0, 0)),
            pl.BlockSpec((_I, bn), lambda i: (0, i)),
            pl.BlockSpec((_T, bn), lambda i: (0, i)),
        ],
        out_specs=pl.BlockSpec((_T, bn), lambda i: (0, i)),
        out_shape=jax.ShapeDtypeStruct((_T, _D), jnp.float32),
    )(act, wd, res)



def kernel(hidden_states, position_ids, router_w, router_b, ln1_w,
           wq, bq, wk, bk, wv, bv, wo, ln2_w, wg, wu, wd):
    scores = jax.nn.sigmoid(jnp.squeeze(hidden_states @ router_w, -1) + router_b)
    _, idx = lax.top_k(scores, _CAP)
    token_idx = jnp.sort(idx, axis=-1).reshape(-1)
    batch_idx = jnp.repeat(jnp.arange(_B), _CAP)
    flat_idx = (batch_idx * _S + token_idx).astype(jnp.int32)
    pos = position_ids[batch_idx, token_idx]

    hidden_flat = hidden_states.reshape(_B * _S, _D)
    sel = _sc_gather_rows(hidden_flat, flat_idx)

    posc = pos.reshape(_T, 1).astype(jnp.int32)
    ln1 = ln1_w.reshape(1, _D)
    q, k, v = _rms_qkv(sel, ln1, wq, bq.reshape(1, -1), wk, bk.reshape(1, -1),
                       wv, bv.reshape(1, -1), posc, bn=256)
    o = _attention(q, k, v)
    h1 = _matmul_add(o, wo, sel, bn=512)
    act = _gate_up(h1, ln2_w.reshape(1, _D), wg, wu, bm=1024, bn=512)
    out_sel = _down_add(act, wd, h1, bn=256)

    out_flat = _sc_scatter_rows(hidden_flat, out_sel, flat_idx)
    return out_flat.reshape(_B, _S, _D)

# --- scband reference (transcript-rebuilt; emitter-appended) ---
"""Pipeline reference for scband-mo-dlayer-48507360641335 (READ-ONLY COPY).

The authoritative reference and input builder live on the scoring server;
editing this copy changes nothing except your own understanding.
"""

import jax, jax.numpy as jnp
import numpy as np

B, S, D, H, HD, I = 4, 2048, 2048, 16, 128, 5504
CAP = S // 8
T = B * CAP
EPS = 1e-6
THETA = 1000000.0


def setup_inputs(seed: int = 0) -> dict:
    key = jax.random.key(seed)
    ks = jax.random.split(key, 16)
    s = 0.02
    return {
        "hidden_states": jax.random.normal(ks[0], (B, S, D), jnp.float32),
        "position_ids": jnp.tile(jnp.arange(S, dtype=jnp.int32)[None, :], (B, 1)),
        "router_w": jax.random.normal(ks[1], (D, 1), jnp.float32) * s,
        "router_b": jnp.zeros((1,), jnp.float32),
        "ln1_w": jnp.ones((D,), jnp.float32),
        "wq": jax.random.normal(ks[2], (D, H * HD), jnp.float32) * s,
        "bq": jnp.zeros((H * HD,), jnp.float32),
        "wk": jax.random.normal(ks[3], (D, H * HD), jnp.float32) * s,
        "bk": jnp.zeros((H * HD,), jnp.float32),
        "wv": jax.random.normal(ks[4], (D, H * HD), jnp.float32) * s,
        "bv": jnp.zeros((H * HD,), jnp.float32),
        "wo": jax.random.normal(ks[5], (H * HD, D), jnp.float32) * s,
        "ln2_w": jnp.ones((D,), jnp.float32),
        "wg": jax.random.normal(ks[6], (D, I), jnp.float32) * s,
        "wu": jax.random.normal(ks[7], (D, I), jnp.float32) * s,
        "wd": jax.random.normal(ks[8], (I, D), jnp.float32) * s,
    }


def _rms(x, w):
    return x * jax.lax.rsqrt(jnp.mean(x * x, axis=-1, keepdims=True) + EPS) * w


def _rot_half(x):
    return jnp.concatenate([-x[..., HD // 2:], x[..., :HD // 2]], axis=-1)


def reference(hidden_states, position_ids, router_w, router_b, ln1_w, wq, bq, wk, bk, wv, bv, wo, ln2_w, wg, wu, wd):
    # ---- MoDRouter: per-token score, top-CAP tokens per sequence ----
    scores = jax.nn.sigmoid(jnp.squeeze(hidden_states @ router_w, -1) + router_b)  # [B, S]
    _, idx = jax.lax.top_k(scores, CAP)                       # [B, CAP]
    token_idx = jnp.sort(idx, axis=-1).reshape(-1)            # row-major like nonzero()
    batch_idx = jnp.repeat(jnp.arange(B), CAP)
    sel = hidden_states[batch_idx, token_idx]                 # [T, D]
    pos = position_ids[batch_idx, token_idx]                  # [T]

    # ---- Qwen2DecoderLayer on the packed selected tokens (single sequence of length T) ----
    h = _rms(sel, ln1_w)
    q = (h @ wq + bq).reshape(T, H, HD)
    k = (h @ wk + bk).reshape(T, H, HD)
    v = (h @ wv + bv).reshape(T, H, HD)
    inv = 1.0 / (THETA ** (jnp.arange(0, HD, 2, dtype=jnp.float32) / HD))
    fr = pos.astype(jnp.float32)[:, None] * inv[None, :]
    emb = jnp.concatenate([fr, fr], axis=-1)
    cos = jnp.cos(emb)[:, None, :]
    sin = jnp.sin(emb)[:, None, :]
    q = q * cos + _rot_half(q) * sin
    k = k * cos + _rot_half(k) * sin
    q = q.transpose(1, 0, 2)  # [H, T, HD]
    k = k.transpose(1, 0, 2)
    v = v.transpose(1, 0, 2)
    att = (q @ k.transpose(0, 2, 1)) / jnp.sqrt(jnp.float32(HD))
    causal = jnp.where(jnp.tril(jnp.ones((T, T), bool)), 0.0, -1e9).astype(jnp.float32)
    att = jax.nn.softmax(att + causal[None, :, :], axis=-1)
    o = (att @ v).transpose(1, 0, 2).reshape(T, H * HD) @ wo
    h1 = sel + o
    h2 = _rms(h1, ln2_w)
    mlp = (jax.nn.silu(h2 @ wg) * (h2 @ wu)) @ wd
    out_sel = h1 + mlp

    # ---- scatter processed tokens back into their original slots ----
    output = hidden_states.at[batch_idx, token_idx].set(out_sel)
    return output

if __name__ == "__main__":
    import jax
    _d = setup_inputs()
    print(jax.jit(kernel)(*tuple(_d.values())))

</pallas_src>

<mosaic_0001>
#map = affine_map<(d0, d1) -> (0, 0)>
#map1 = affine_map<(d0, d1) -> (0)>
module attributes {stable_mosaic.version = 14 : i64} {
  func.func @gather_kernel(%arg0: i32, %arg1: i32, %arg2: memref<8192x2048xf32, #tpu.memory_space<hbm>>, %arg3: memref<1024xi32, #tpu.memory_space<hbm>>, %arg4: memref<1024x2048xf32, #tpu.memory_space<hbm>>, %arg5: memref<32xi32, #tpu.memory_space<vmem>>, %arg6: memref<32x2048xf32, #tpu.memory_space<vmem>>, %arg7: memref<!tpu.dma_semaphore, #tpu.memory_space<semaphore_mem>>) attributes {dimension_semantics = [#tpu.dimension_semantics<core_parallel>, #tpu.dimension_semantics<subcore_parallel>], iteration_bounds = array<i64: 2, 16>, scalar_prefetch = 0 : i64, scratch_operands = 3 : i64, tpu.core_type = #tpu.core_type<sc_vector_subcore>, window_params = [{transform_indices = #map}, {transform_indices = #map1}, {transform_indices = #map}]} {
    %mul3A = arith.constant 2 : i32
    %mul3A_0 = arith.muli %arg1, %mul3A : i32
    %add3A = arith.addi %mul3A_0, %arg0 : i32
    %mul3A_1 = arith.constant 32 : i32
    %mul3A_2 = arith.muli %add3A, %mul3A_1 : i32
    "tpu.region"() ({
      %run_scoped3A = tpu.sem_alloc : memref<!tpu.dma_semaphore, #tpu.memory_space<semaphore_mem>>
      %dma_start3A_7 = tpu.memref_slice %arg3[%mul3A_2] : memref<1024xi32, #tpu.memory_space<hbm>> -> memref<32xi32, #tpu.memory_space<hbm>>
      %dma_start3A_8 = tpu.memref_slice %arg3[%mul3A_2] : memref<1024xi32, #tpu.memory_space<hbm>> -> memref<32xi32, #tpu.memory_space<hbm>>
      tpu.enqueue_dma source(%dma_start3A_8 : memref<32xi32, #tpu.memory_space<hbm>>) target(%arg5 : memref<32xi32, #tpu.memory_space<vmem>>) target_semaphore(%run_scoped3A : memref<!tpu.dma_semaphore, #tpu.memory_space<semaphore_mem>>)
      %dma_wait3A_9 = tpu.memref_slice %arg3[%mul3A_2] : memref<1024xi32, #tpu.memory_space<hbm>> -> memref<32xi32, #tpu.memory_space<hbm>>
      %dma_wait3A_10 = tpu.memref_slice %arg3[%mul3A_2] : memref<1024xi32, #tpu.memory_space<hbm>> -> memref<32xi32, #tpu.memory_space<hbm>>
      tpu.wait_dma2 semaphore(%run_scoped3A : memref<!tpu.dma_semaphore, #tpu.memory_space<semaphore_mem>>) src(%dma_wait3A_10 : memref<32xi32, #tpu.memory_space<hbm>>) dst(%arg5 : memref<32xi32, #tpu.memory_space<vmem>>)
      tpu.yield
    }) : () -> ()
    %dma_start3A = arith.constant 0 : i32
    %dma_start3A_3 = arith.constant 0 : i32
    %dma_start3A_4 = tpu.memref_slice %arg2[%dma_start3A, %dma_start3A_3] : memref<8192x2048xf32, #tpu.memory_space<hbm>> -> memref<8192x2048xf32, #tpu.memory_space<hbm>>
    tpu.enqueue_indirect_dma source(%dma_start3A_4 : memref<8192x2048xf32, #tpu.memory_space<hbm>>) target(%arg6 : memref<32x2048xf32, #tpu.memory_space<vmem>>) offsets(%arg5 : memref<32xi32, #tpu.memory_space<vmem>>) semaphore(%arg7 : memref<!tpu.dma_semaphore, #tpu.memory_space<semaphore_mem>>)
    %dma_wait3A = arith.constant 0 : i32
    %dma_wait3A_5 = arith.constant 0 : i32
    %dma_wait3A_6 = tpu.memref_slice %arg2[%dma_wait3A, %dma_wait3A_5] : memref<8192x2048xf32, #tpu.memory_space<hbm>> -> memref<8192x2048xf32, #tpu.memory_space<hbm>>
    tpu.wait_indirect_dma semaphore(%arg7 : memref<!tpu.dma_semaphore, #tpu.memory_space<semaphore_mem>>) src(%dma_wait3A_6 : memref<8192x2048xf32, #tpu.memory_space<hbm>>) dst(%arg6 : memref<32x2048xf32, #tpu.memory_space<vmem>>)
    "tpu.region"() ({
      %run_scoped3A = tpu.sem_alloc : memref<!tpu.dma_semaphore, #tpu.memory_space<semaphore_mem>>
      %dma_start3A_7 = arith.constant 0 : i32
      %dma_start3A_8 = tpu.memref_slice %arg4[%mul3A_2, %dma_start3A_7] : memref<1024x2048xf32, #tpu.memory_space<hbm>> -> memref<32x2048xf32, #tpu.memory_space<hbm>>
      %dma_start3A_9 = arith.constant 0 : i32
      %dma_start3A_10 = tpu.memref_slice %arg4[%mul3A_2, %dma_start3A_9] : memref<1024x2048xf32, #tpu.memory_space<hbm>> -> memref<32x2048xf32, #tpu.memory_space<hbm>>
      tpu.enqueue_dma source(%arg6 : memref<32x2048xf32, #tpu.memory_space<vmem>>) target(%dma_start3A_10 : memref<32x2048xf32, #tpu.memory_space<hbm>>) target_semaphore(%run_scoped3A : memref<!tpu.dma_semaphore, #tpu.memory_space<semaphore_mem>>)
      %dma_wait3A_11 = arith.constant 0 : i32
      %dma_wait3A_12 = tpu.memref_slice %arg4[%mul3A_2, %dma_wait3A_11] : memref<1024x2048xf32, #tpu.memory_space<hbm>> -> memref<32x2048xf32, #tpu.memory_space<hbm>>
      %dma_wait3A_13 = arith.constant 0 : i32
      %dma_wait3A_14 = tpu.memref_slice %arg4[%mul3A_2, %dma_wait3A_13] : memref<1024x2048xf32, #tpu.memory_space<hbm>> -> memref<32x2048xf32, #tpu.memory_space<hbm>>
      tpu.wait_dma2 semaphore(%run_scoped3A : memref<!tpu.dma_semaphore, #tpu.memory_space<semaphore_mem>>) src(%arg6 : memref<32x2048xf32, #tpu.memory_space<vmem>>) dst(%dma_wait3A_14 : memref<32x2048xf32, #tpu.memory_space<hbm>>)
      tpu.yield
    }) : () -> ()
    return
  }
}

#map = affine_map<(d0, d1) -> (0, 0)>
#map1 = affine_map<(d0, d1) -> (0)>
module attributes {stable_mosaic.version = 14 : i64} {
  func.func @scatter_kernel(%arg0: i32, %arg1: i32, %arg2: memref<8192x2048xf32, #tpu.memory_space<hbm>>, %arg3: memref<1024x2048xf32, #tpu.memory_space<hbm>>, %arg4: memref<1024xi32, #tpu.memory_space<hbm>>, %arg5: memref<8192x2048xf32, #tpu.memory_space<hbm>>, %arg6: memref<32xi32, #tpu.memory_space<vmem>>, %arg7: memref<32x2048xf32, #tpu.memory_space<vmem>>, %arg8: memref<!tpu.dma_semaphore, #tpu.memory_space<semaphore_mem>>) attributes {dimension_semantics = [#tpu.dimension_semantics<core_parallel>, #tpu.dimension_semantics<subcore_parallel>], iteration_bounds = array<i64: 2, 16>, scalar_prefetch = 0 : i64, scratch_operands = 3 : i64, tpu.core_type = #tpu.core_type<sc_vector_subcore>, window_params = [{transform_indices = #map}, {transform_indices = #map}, {transform_indices = #map1}, {transform_indices = #map}]} {
    %mul3A = arith.constant 4096 : i32
    %mul3A_0 = arith.muli %arg0, %mul3A : i32
    %mul3A_1 = arith.constant 256 : i32
    %mul3A_2 = arith.muli %arg1, %mul3A_1 : i32
    %add3A = arith.addi %mul3A_0, %mul3A_2 : i32
    %add3A_3 = arith.constant 0 : i32
    %add3A_4 = arith.addi %add3A, %add3A_3 : i32
    "tpu.region"() ({
      %run_scoped3A = tpu.sem_alloc : memref<!tpu.dma_semaphore, #tpu.memory_space<semaphore_mem>>
      %dma_start3A_28 = arith.constant 0 : i32
      %dma_start3A_29 = tpu.memref_slice %arg2[%add3A_4, %dma_start3A_28] : memref<8192x2048xf32, #tpu.memory_space<hbm>> -> memref<32x2048xf32, #tpu.memory_space<hbm>>
      %dma_start3A_30 = arith.constant 0 : i32
      %dma_start3A_31 = tpu.memref_slice %arg2[%add3A_4, %dma_start3A_30] : memref<8192x2048xf32, #tpu.memory_space<hbm>> -> memref<32x2048xf32, #tpu.memory_space<hbm>>
      tpu.enqueue_dma source(%dma_start3A_31 : memref<32x2048xf32, #tpu.memory_space<hbm>>) target(%arg7 : memref<32x2048xf32, #tpu.memory_space<vmem>>) target_semaphore(%run_scoped3A : memref<!tpu.dma_semaphore, #tpu.memory_space<semaphore_mem>>)
      %dma_wait3A_32 = arith.constant 0 : i32
      %dma_wait3A_33 = tpu.memref_slice %arg2[%add3A_4, %dma_wait3A_32] : memref<8192x2048xf32, #tpu.memory_space<hbm>> -> memref<32x2048xf32, #tpu.memory_space<hbm>>
      %dma_wait3A_34 = arith.constant 0 : i32
      %dma_wait3A_35 = tpu.memref_slice %arg2[%add3A_4, %dma_wait3A_34] : memref<8192x2048xf32, #tpu.memory_space<hbm>> -> memref<32x2048xf32, #tpu.memory_space<hbm>>
      tpu.wait_dma2 semaphore(%run_scoped3A : memref<!tpu.dma_semaphore, #tpu.memory_space<semaphore_mem>>) src(%dma_wait3A_35 : memref<32x2048xf32, #tpu.memory_space<hbm>>) dst(%arg7 : memref<32x2048xf32, #tpu.memory_space<vmem>>)
      tpu.yield
    }) : () -> ()
    "tpu.region"() ({
      %run_scoped3A = tpu.sem_alloc : memref<!tpu.dma_semaphore, #tpu.memory_space<semaphore_mem>>
      %dma_start3A_28 = arith.constant 0 : i32
      %dma_start3A_29 = tpu.memref_slice %arg5[%add3A_4, %dma_start3A_28] : memref<8192x2048xf32, #tpu.memory_space<hbm>> -> memref<32x2048xf32, #tpu.memory_space<hbm>>
      %dma_start3A_30 = arith.constant 0 : i32
      %dma_start3A_31 = tpu.memref_slice %arg5[%add3A_4, %dma_start3A_30] : memref<8192x2048xf32, #tpu.memory_space<hbm>> -> memref<32x2048xf32, #tpu.memory_space<hbm>>
      tpu.enqueue_dma source(%arg7 : memref<32x2048xf32, #tpu.memory_space<vmem>>) target(%dma_start3A_31 : memref<32x2048xf32, #tpu.memory_space<hbm>>) target_semaphore(%run_scoped3A : memref<!tpu.dma_semaphore, #tpu.memory_space<semaphore_mem>>)
      %dma_wait3A_32 = arith.constant 0 : i32
      %dma_wait3A_33 = tpu.memref_slice %arg5[%add3A_4, %dma_wait3A_32] : memref<8192x2048xf32, #tpu.memory_space<hbm>> -> memref<32x2048xf32, #tpu.memory_space<hbm>>
      %dma_wait3A_34 = arith.constant 0 : i32
      %dma_wait3A_35 = tpu.memref_slice %arg5[%add3A_4, %dma_wait3A_34] : memref<8192x2048xf32, #tpu.memory_space<hbm>> -> memref<32x2048xf32, #tpu.memory_space<hbm>>
      tpu.wait_dma2 semaphore(%run_scoped3A : memref<!tpu.dma_semaphore, #tpu.memory_space<semaphore_mem>>) src(%arg7 : memref<32x2048xf32, #tpu.memory_space<vmem>>) dst(%dma_wait3A_35 : memref<32x2048xf32, #tpu.memory_space<hbm>>)
      tpu.yield
    }) : () -> ()
    %add3A_5 = arith.constant 32 : i32
    %add3A_6 = arith.addi %add3A, %add3A_5 : i32
    "tpu.region"() ({
      %run_scoped3A = tpu.sem_alloc : memref<!tpu.dma_semaphore, #tpu.memory_space<semaphore_mem>>
      %dma_start3A_28 = arith.constant 0 : i32
      %dma_start3A_29 = tpu.memref_slice %arg2[%add3A_6, %dma_start3A_28] : memref<8192x2048xf32, #tpu.memory_space<hbm>> -> memref<32x2048xf32, #tpu.memory_space<hbm>>
      %dma_start3A_30 = arith.constant 0 : i32
      %dma_start3A_31 = tpu.memref_slice %arg2[%add3A_6, %dma_start3A_30] : memref<8192x2048xf32, #tpu.memory_space<hbm>> -> memref<32x2048xf32, #tpu.memory_space<hbm>>
      tpu.enqueue_dma source(%dma_start3A_31 : memref<32x2048xf32, #tpu.memory_space<hbm>>) target(%arg7 : memref<32x2048xf32, #tpu.memory_space<vmem>>) target_semaphore(%run_scoped3A : memref<!tpu.dma_semaphore, #tpu.memory_space<semaphore_mem>>)
      %dma_wait3A_32 = arith.constant 0 : i32
      %dma_wait3A_33 = tpu.memref_slice %arg2[%add3A_6, %dma_wait3A_32] : memref<8192x2048xf32, #tpu.memory_space<hbm>> -> memref<32x2048xf32, #tpu.memory_space<hbm>>
      %dma_wait3A_34 = arith.constant 0 : i32
      %dma_wait3A_35 = tpu.memref_slice %arg2[%add3A_6, %dma_wait3A_34] : memref<8192x2048xf32, #tpu.memory_space<hbm>> -> memref<32x2048xf32, #tpu.memory_space<hbm>>
      tpu.wait_dma2 semaphore(%run_scoped3A : memref<!tpu.dma_semaphore, #tpu.memory_space<semaphore_mem>>) src(%dma_wait3A_35 : memref<32x2048xf32, #tpu.memory_space<hbm>>) dst(%arg7 : memref<32x2048xf32, #tpu.memory_space<vmem>>)
      tpu.yield
    }) : () -> ()
    "tpu.region"() ({
      %run_scoped3A = tpu.sem_alloc : memref<!tpu.dma_semaphore, #tpu.memory_space<semaphore_mem>>
      %dma_start3A_28 = arith.constant 0 : i32
      %dma_start3A_29 = tpu.memref_slice %arg5[%add3A_6, %dma_start3A_28] : memref<8192x2048xf32, #tpu.memory_space<hbm>> -> memref<32x2048xf32, #tpu.memory_space<hbm>>
      %dma_start3A_30 = arith.constant 0 : i32
      %dma_start3A_31 = tpu.memref_slice %arg5[%add3A_6, %dma_start3A_30] : memref<8192x2048xf32, #tpu.memory_space<hbm>> -> memref<32x2048xf32, #tpu.memory_space<hbm>>
      tpu.enqueue_dma source(%arg7 : memref<32x2048xf32, #tpu.memory_space<vmem>>) target(%dma_start3A_31 : memref<32x2048xf32, #tpu.memory_space<hbm>>) target_semaphore(%run_scoped3A : memref<!tpu.dma_semaphore, #tpu.memory_space<semaphore_mem>>)
      %dma_wait3A_32 = arith.constant 0 : i32
      %dma_wait3A_33 = tpu.memref_slice %arg5[%add3A_6, %dma_wait3A_32] : memref<8192x2048xf32, #tpu.memory_space<hbm>> -> memref<32x2048xf32, #tpu.memory_space<hbm>>
      %dma_wait3A_34 = arith.constant 0 : i32
      %dma_wait3A_35 = tpu.memref_slice %arg5[%add3A_6, %dma_wait3A_34] : memref<8192x2048xf32, #tpu.memory_space<hbm>> -> memref<32x2048xf32, #tpu.memory_space<hbm>>
      tpu.wait_dma2 semaphore(%run_scoped3A : memref<!tpu.dma_semaphore, #tpu.memory_space<semaphore_mem>>) src(%arg7 : memref<32x2048xf32, #tpu.memory_space<vmem>>) dst(%dma_wait3A_35 : memref<32x2048xf32, #tpu.memory_space<hbm>>)
      tpu.yield
    }) : () -> ()
    %add3A_7 = arith.constant 64 : i32
    %add3A_8 = arith.addi %add3A, %add3A_7 : i32
    "tpu.region"() ({
      %run_scoped3A = tpu.sem_alloc : memref<!tpu.dma_semaphore, #tpu.memory_space<semaphore_mem>>
      %dma_start3A_28 = arith.constant 0 : i32
      %dma_start3A_29 = tpu.memref_slice %arg2[%add3A_8, %dma_start3A_28] : memref<8192x2048xf32, #tpu.memory_space<hbm>> -> memref<32x2048xf32, #tpu.memory_space<hbm>>
      %dma_start3A_30 = arith.constant 0 : i32
      %dma_start3A_31 = tpu.memref_slice %arg2[%add3A_8, %dma_start3A_30] : memref<8192x2048xf32, #tpu.memory_space<hbm>> -> memref<32x2048xf32, #tpu.memory_space<hbm>>
      tpu.enqueue_dma source(%dma_start3A_31 : memref<32x2048xf32, #tpu.memory_space<hbm>>) target(%arg7 : memref<32x2048xf32, #tpu.memory_space<vmem>>) target_semaphore(%run_scoped3A : memref<!tpu.dma_semaphore, #tpu.memory_space<semaphore_mem>>)
      %dma_wait3A_32 = arith.constant 0 : i32
      %dma_wait3A_33 = tpu.memref_slice %arg2[%add3A_8, %dma_wait3A_32] : memref<8192x2048xf32, #tpu.memory_space<hbm>> -> memref<32x2048xf32, #tpu.memory_space<hbm>>
      %dma_wait3A_34 = arith.constant 0 : i32
      %dma_wait3A_35 = tpu.memref_slice %arg2[%add3A_8, %dma_wait3A_34] : memref<8192x2048xf32, #tpu.memory_space<hbm>> -> memref<32x2048xf32, #tpu.memory_space<hbm>>
      tpu.wait_dma2 semaphore(%run_scoped3A : memref<!tpu.dma_semaphore, #tpu.memory_space<semaphore_mem>>) src(%dma_wait3A_35 : memref<32x2048xf32, #tpu.memory_space<hbm>>) dst(%arg7 : memref<32x2048xf32, #tpu.memory_space<vmem>>)
      tpu.yield
    }) : () -> ()
    "tpu.region"() ({
      %run_scoped3A = tpu.sem_alloc : memref<!tpu.dma_semaphore, #tpu.memory_space<semaphore_mem>>
      %dma_start3A_28 = arith.constant 0 : i32
      %dma_start3A_29 = tpu.memref_slice %arg5[%add3A_8, %dma_start3A_28] : memref<8192x2048xf32, #tpu.memory_space<hbm>> -> memref<32x2048xf32, #tpu.memory_space<hbm>>
      %dma_start3A_30 = arith.constant 0 : i32
      %dma_start3A_31 = tpu.memref_slice %arg5[%add3A_8, %dma_start3A_30] : memref<8192x2048xf32, #tpu.memory_space<hbm>> -> memref<32x2048xf32, #tpu.memory_space<hbm>>
      tpu.enqueue_dma source(%arg7 : memref<32x2048xf32, #tpu.memory_space<vmem>>) target(%dma_start3A_31 : memref<32x2048xf32, #tpu.memory_space<hbm>>) target_semaphore(%run_scoped3A : memref<!tpu.dma_semaphore, #tpu.memory_space<semaphore_mem>>)
      %dma_wait3A_32 = arith.constant 0 : i32
      %dma_wait3A_33 = tpu.memref_slice %arg5[%add3A_8, %dma_wait3A_32] : memref<8192x2048xf32, #tpu.memory_space<hbm>> -> memref<32x2048xf32, #tpu.memory_space<hbm>>
      %dma_wait3A_34 = arith.constant 0 : i32
      %dma_wait3A_35 = tpu.memref_slice %arg5[%add3A_8, %dma_wait3A_34] : memref<8192x2048xf32, #tpu.memory_space<hbm>> -> memref<32x2048xf32, #tpu.memory_space<hbm>>
      tpu.wait_dma2 semaphore(%run_scoped3A : memref<!tpu.dma_semaphore, #tpu.memory_space<semaphore_mem>>) src(%arg7 : memref<32x2048xf32, #tpu.memory_space<vmem>>) dst(%dma_wait3A_35 : memref<32x2048xf32, #tpu.memory_space<hbm>>)
      tpu.yield
    }) : () -> ()
    %add3A_9 = arith.constant 96 : i32
    %add3A_10 = arith.addi %add3A, %add3A_9 : i32
    "tpu.region"() ({
      %run_scoped3A = tpu.sem_alloc : memref<!tpu.dma_semaphore, #tpu.memory_space<semaphore_mem>>
      %dma_start3A_28 = arith.constant 0 : i32
      %dma_start3A_29 = tpu.memref_slice %arg2[%add3A_10, %dma_start3A_28] : memref<8192x2048xf32, #tpu.memory_space<hbm>> -> memref<32x2048xf32, #tpu.memory_space<hbm>>
      %dma_start3A_30 = arith.constant 0 : i32
      %dma_start3A_31 = tpu.memref_slice %arg2[%add3A_10, %dma_start3A_30] : memref<8192x2048xf32, #tpu.memory_space<hbm>> -> memref<32x2048xf32, #tpu.memory_space<hbm>>
      tpu.enqueue_dma source(%dma_start3A_31 : memref<32x2048xf32, #tpu.memory_space<hbm>>) target(%arg7 : memref<32x2048xf32, #tpu.memory_space<vmem>>) target_semaphore(%run_scoped3A : memref<!tpu.dma_semaphore, #tpu.memory_space<semaphore_mem>>)
      %dma_wait3A_32 = arith.constant 0 : i32
      %dma_wait3A_33 = tpu.memref_slice %arg2[%add3A_10, %dma_wait3A_32] : memref<8192x2048xf32, #tpu.memory_space<hbm>> -> memref<32x2048xf32, #tpu.memory_space<hbm>>
      %dma_wait3A_34 = arith.constant 0 : i32
      %dma_wait3A_35 = tpu.memref_slice %arg2[%add3A_10, %dma_wait3A_34] : memref<8192x2048xf32, #tpu.memory_space<hbm>> -> memref<32x2048xf32, #tpu.memory_space<hbm>>
      tpu.wait_dma2 semaphore(%run_scoped3A : memref<!tpu.dma_semaphore, #tpu.memory_space<semaphore_mem>>) src(%dma_wait3A_35 : memref<32x2048xf32, #tpu.memory_space<hbm>>) dst(%arg7 : memref<32x2048xf32, #tpu.memory_space<vmem>>)
      tpu.yield
    }) : () -> ()
    "tpu.region"() ({
      %run_scoped3A = tpu.sem_alloc : memref<!tpu.dma_semaphore, #tpu.memory_space<semaphore_mem>>
      %dma_start3A_28 = arith.constant 0 : i32
      %dma_start3A_29 = tpu.memref_slice %arg5[%add3A_10, %dma_start3A_28] : memref<8192x2048xf32, #tpu.memory_space<hbm>> -> memref<32x2048xf32, #tpu.memory_space<hbm>>
      %dma_start3A_30 = arith.constant 0 : i32
      %dma_start3A_31 = tpu.memref_slice %arg5[%add3A_10, %dma_start3A_30] : memref<8192x2048xf32, #tpu.memory_space<hbm>> -> memref<32x2048xf32, #tpu.memory_space<hbm>>
      tpu.enqueue_dma source(%arg7 : memref<32x2048xf32, #tpu.memory_space<vmem>>) target(%dma_start3A_31 : memref<32x2048xf32, #tpu.memory_space<hbm>>) target_semaphore(%run_scoped3A : memref<!tpu.dma_semaphore, #tpu.memory_space<semaphore_mem>>)
      %dma_wait3A_32 = arith.constant 0 : i32
      %dma_wait3A_33 = tpu.memref_slice %arg5[%add3A_10, %dma_wait3A_32] : memref<8192x2048xf32, #tpu.memory_space<hbm>> -> memref<32x2048xf32, #tpu.memory_space<hbm>>
      %dma_wait3A_34 = arith.constant 0 : i32
      %dma_wait3A_35 = tpu.memref_slice %arg5[%add3A_10, %dma_wait3A_34] : memref<8192x2048xf32, #tpu.memory_space<hbm>> -> memref<32x2048xf32, #tpu.memory_space<hbm>>
      tpu.wait_dma2 semaphore(%run_scoped3A : memref<!tpu.dma_semaphore, #tpu.memory_space<semaphore_mem>>) src(%arg7 : memref<32x2048xf32, #tpu.memory_space<vmem>>) dst(%dma_wait3A_35 : memref<32x2048xf32, #tpu.memory_space<hbm>>)
      tpu.yield
    }) : () -> ()
    %add3A_11 = arith.constant 128 : i32
    %add3A_12 = arith.addi %add3A, %add3A_11 : i32
    "tpu.region"() ({
      %run_scoped3A = tpu.sem_alloc : memref<!tpu.dma_semaphore, #tpu.memory_space<semaphore_mem>>
      %dma_start3A_28 = arith.constant 0 : i32
      %dma_start3A_29 = tpu.memref_slice %arg2[%add3A_12, %dma_start3A_28] : memref<8192x2048xf32, #tpu.memory_space<hbm>> -> memref<32x2048xf32, #tpu.memory_space<hbm>>
      %dma_start3A_30 = arith.constant 0 : i32
      %dma_start3A_31 = tpu.memref_slice %arg2[%add3A_12, %dma_start3A_30] : memref<8192x2048xf32, #tpu.memory_space<hbm>> -> memref<32x2048xf32, #tpu.memory_space<hbm>>
      tpu.enqueue_dma source(%dma_start3A_31 : memref<32x2048xf32, #tpu.memory_space<hbm>>) target(%arg7 : memref<32x2048xf32, #tpu.memory_space<vmem>>) target_semaphore(%run_scoped3A : memref<!tpu.dma_semaphore, #tpu.memory_space<semaphore_mem>>)
      %dma_wait3A_32 = arith.constant 0 : i32
      %dma_wait3A_33 = tpu.memref_slice %arg2[%add3A_12, %dma_wait3A_32] : memref<8192x2048xf32, #tpu.memory_space<hbm>> -> memref<32x2048xf32, #tpu.memory_space<hbm>>
      %dma_wait3A_34 = arith.constant 0 : i32
      %dma_wait3A_35 = tpu.memref_slice %arg2[%add3A_12, %dma_wait3A_34] : memref<8192x2048xf32, #tpu.memory_space<hbm>> -> memref<32x2048xf32, #tpu.memory_space<hbm>>
      tpu.wait_dma2 semaphore(%run_scoped3A : memref<!tpu.dma_semaphore, #tpu.memory_space<semaphore_mem>>) src(%dma_wait3A_35 : memref<32x2048xf32, #tpu.memory_space<hbm>>) dst(%arg7 : memref<32x2048xf32, #tpu.memory_space<vmem>>)
      tpu.yield
    }) : () -> ()
    "tpu.region"() ({
      %run_scoped3A = tpu.sem_alloc : memref<!tpu.dma_semaphore, #tpu.memory_space<semaphore_mem>>
      %dma_start3A_28 = arith.constant 0 : i32
      %dma_start3A_29 = tpu.memref_slice %arg5[%add3A_12, %dma_start3A_28] : memref<8192x2048xf32, #tpu.memory_space<hbm>> -> memref<32x2048xf32, #tpu.memory_space<hbm>>
      %dma_start3A_30 = arith.constant 0 : i32
      %dma_start3A_31 = tpu.memref_slice %arg5[%add3A_12, %dma_start3A_30] : memref<8192x2048xf32, #tpu.memory_space<hbm>> -> memref<32x2048xf32, #tpu.memory_space<hbm>>
      tpu.enqueue_dma source(%arg7 : memref<32x2048xf32, #tpu.memory_space<vmem>>) target(%dma_start3A_31 : memref<32x2048xf32, #tpu.memory_space<hbm>>) target_semaphore(%run_scoped3A : memref<!tpu.dma_semaphore, #tpu.memory_space<semaphore_mem>>)
      %dma_wait3A_32 = arith.constant 0 : i32
      %dma_wait3A_33 = tpu.memref_slice %arg5[%add3A_12, %dma_wait3A_32] : memref<8192x2048xf32, #tpu.memory_space<hbm>> -> memref<32x2048xf32, #tpu.memory_space<hbm>>
      %dma_wait3A_34 = arith.constant 0 : i32
      %dma_wait3A_35 = tpu.memref_slice %arg5[%add3A_12, %dma_wait3A_34] : memref<8192x2048xf32, #tpu.memory_space<hbm>> -> memref<32x2048xf32, #tpu.memory_space<hbm>>
      tpu.wait_dma2 semaphore(%run_scoped3A : memref<!tpu.dma_semaphore, #tpu.memory_space<semaphore_mem>>) src(%arg7 : memref<32x2048xf32, #tpu.memory_space<vmem>>) dst(%dma_wait3A_35 : memref<32x2048xf32, #tpu.memory_space<hbm>>)
      tpu.yield
    }) : () -> ()
    %add3A_13 = arith.constant 160 : i32
    %add3A_14 = arith.addi %add3A, %add3A_13 : i32
    "tpu.region"() ({
      %run_scoped3A = tpu.sem_alloc : memref<!tpu.dma_semaphore, #tpu.memory_space<semaphore_mem>>
      %dma_start3A_28 = arith.constant 0 : i32
      %dma_start3A_29 = tpu.memref_slice %arg2[%add3A_14, %dma_start3A_28] : memref<8192x2048xf32, #tpu.memory_space<hbm>> -> memref<32x2048xf32, #tpu.memory_space<hbm>>
      %dma_start3A_30 = arith.constant 0 : i32
      %dma_start3A_31 = tpu.memref_slice %arg2[%add3A_14, %dma_start3A_30] : memref<8192x2048xf32, #tpu.memory_space<hbm>> -> memref<32x2048xf32, #tpu.memory_space<hbm>>
      tpu.enqueue_dma source(%dma_start3A_31 : memref<32x2048xf32, #tpu.memory_space<hbm>>) target(%arg7 : memref<32x2048xf32, #tpu.memory_space<vmem>>) target_semaphore(%run_scoped3A : memref<!tpu.dma_semaphore, #tpu.memory_space<semaphore_mem>>)
      %dma_wait3A_32 = arith.constant 0 : i32
      %dma_wait3A_33 = tpu.memref_slice %arg2[%add3A_14, %dma_wait3A_32] : memref<8192x2048xf32, #tpu.memory_space<hbm>> -> memref<32x2048xf32, #tpu.memory_space<hbm>>
      %dma_wait3A_34 = arith.constant 0 : i32
      %dma_wait3A_35 = tpu.memref_slice %arg2[%add3A_14, %dma_wait3A_34] : memref<8192x2048xf32, #tpu.memory_space<hbm>> -> memref<32x2048xf32, #tpu.memory_space<hbm>>
      tpu.wait_dma2 semaphore(%run_scoped3A : memref<!tpu.dma_semaphore, #tpu.memory_space<semaphore_mem>>) src(%dma_wait3A_35 : memref<32x2048xf32, #tpu.memory_space<hbm>>) dst(%arg7 : memref<32x2048xf32, #tpu.memory_space<vmem>>)
      tpu.yield
    }) : () -> ()
    "tpu.region"() ({
      %run_scoped3A = tpu.sem_alloc : memref<!tpu.dma_semaphore, #tpu.memory_space<semaphore_mem>>
      %dma_start3A_28 = arith.constant 0 : i32
      %dma_start3A_29 = tpu.memref_slice %arg5[%add3A_14, %dma_start3A_28] : memref<8192x2048xf32, #tpu.memory_space<hbm>> -> memref<32x2048xf32, #tpu.memory_space<hbm>>
      %dma_start3A_30 = arith.constant 0 : i32
      %dma_start3A_31 = tpu.memref_slice %arg5[%add3A_14, %dma_start3A_30] : memref<8192x2048xf32, #tpu.memory_space<hbm>> -> memref<32x2048xf32, #tpu.memory_space<hbm>>
      tpu.enqueue_dma source(%arg7 : memref<32x2048xf32, #tpu.memory_space<vmem>>) target(%dma_start3A_31 : memref<32x2048xf32, #tpu.memory_space<hbm>>) target_semaphore(%run_scoped3A : memref<!tpu.dma_semaphore, #tpu.memory_space<semaphore_mem>>)
      %dma_wait3A_32 = arith.constant 0 : i32
      %dma_wait3A_33 = tpu.memref_slice %arg5[%add3A_14, %dma_wait3A_32] : memref<8192x2048xf32, #tpu.memory_space<hbm>> -> memref<32x2048xf32, #tpu.memory_space<hbm>>
      %dma_wait3A_34 = arith.constant 0 : i32
      %dma_wait3A_35 = tpu.memref_slice %arg5[%add3A_14, %dma_wait3A_34] : memref<8192x2048xf32, #tpu.memory_space<hbm>> -> memref<32x2048xf32, #tpu.memory_space<hbm>>
      tpu.wait_dma2 semaphore(%run_scoped3A : memref<!tpu.dma_semaphore, #tpu.memory_space<semaphore_mem>>) src(%arg7 : memref<32x2048xf32, #tpu.memory_space<vmem>>) dst(%dma_wait3A_35 : memref<32x2048xf32, #tpu.memory_space<hbm>>)
      tpu.yield
    }) : () -> ()
    %add3A_15 = arith.constant 192 : i32
    %add3A_16 = arith.addi %add3A, %add3A_15 : i32
    "tpu.region"() ({
      %run_scoped3A = tpu.sem_alloc : memref<!tpu.dma_semaphore, #tpu.memory_space<semaphore_mem>>
      %dma_start3A_28 = arith.constant 0 : i32
      %dma_start3A_29 = tpu.memref_slice %arg2[%add3A_16, %dma_start3A_28] : memref<8192x2048xf32, #tpu.memory_space<hbm>> -> memref<32x2048xf32, #tpu.memory_space<hbm>>
      %dma_start3A_30 = arith.constant 0 : i32
      %dma_start3A_31 = tpu.memref_slice %arg2[%add3A_16, %dma_start3A_30] : memref<8192x2048xf32, #tpu.memory_space<hbm>> -> memref<32x2048xf32, #tpu.memory_space<hbm>>
      tpu.enqueue_dma source(%dma_start3A_31 : memref<32x2048xf32, #tpu.memory_space<hbm>>) target(%arg7 : memref<32x2048xf32, #tpu.memory_space<vmem>>) target_semaphore(%run_scoped3A : memref<!tpu.dma_semaphore, #tpu.memory_space<semaphore_mem>>)
      %dma_wait3A_32 = arith.constant 0 : i32
      %dma_wait3A_33 = tpu.memref_slice %arg2[%add3A_16, %dma_wait3A_32] : memref<8192x2048xf32, #tpu.memory_space<hbm>> -> memref<32x2048xf32, #tpu.memory_space<hbm>>
      %dma_wait3A_34 = arith.constant 0 : i32
      %dma_wait3A_35 = tpu.memref_slice %arg2[%add3A_16, %dma_wait3A_34] : memref<8192x2048xf32, #tpu.memory_space<hbm>> -> memref<32x2048xf32, #tpu.memory_space<hbm>>
      tpu.wait_dma2 semaphore(%run_scoped3A : memref<!tpu.dma_semaphore, #tpu.memory_space<semaphore_mem>>) src(%dma_wait3A_35 : memref<32x2048xf32, #tpu.memory_space<hbm>>) dst(%arg7 : memref<32x2048xf32, #tpu.memory_space<vmem>>)
      tpu.yield
    }) : () -> ()
    "tpu.region"() ({
      %run_scoped3A = tpu.sem_alloc : memref<!tpu.dma_semaphore, #tpu.memory_space<semaphore_mem>>
      %dma_start3A_28 = arith.constant 0 : i32
      %dma_start3A_29 = tpu.memref_slice %arg5[%add3A_16, %dma_start3A_28] : memref<8192x2048xf32, #tpu.memory_space<hbm>> -> memref<32x2048xf32, #tpu.memory_space<hbm>>
      %dma_start3A_30 = arith.constant 0 : i32
      %dma_start3A_31 = tpu.memref_slice %arg5[%add3A_16, %dma_start3A_30] : memref<8192x2048xf32, #tpu.memory_space<hbm>> -> memref<32x2048xf32, #tpu.memory_space<hbm>>
      tpu.enqueue_dma source(%arg7 : memref<32x2048xf32, #tpu.memory_space<vmem>>) target(%dma_start3A_31 : memref<32x2048xf32, #tpu.memory_space<hbm>>) target_semaphore(%run_scoped3A : memref<!tpu.dma_semaphore, #tpu.memory_space<semaphore_mem>>)
      %dma_wait3A_32 = arith.constant 0 : i32
      %dma_wait3A_33 = tpu.memref_slice %arg5[%add3A_16, %dma_wait3A_32] : memref<8192x2048xf32, #tpu.memory_space<hbm>> -> memref<32x2048xf32, #tpu.memory_space<hbm>>
      %dma_wait3A_34 = arith.constant 0 : i32
      %dma_wait3A_35 = tpu.memref_slice %arg5[%add3A_16, %dma_wait3A_34] : memref<8192x2048xf32, #tpu.memory_space<hbm>> -> memref<32x2048xf32, #tpu.memory_space<hbm>>
      tpu.wait_dma2 semaphore(%run_scoped3A : memref<!tpu.dma_semaphore, #tpu.memory_space<semaphore_mem>>) src(%arg7 : memref<32x2048xf32, #tpu.memory_space<vmem>>) dst(%dma_wait3A_35 : memref<32x2048xf32, #tpu.memory_space<hbm>>)
      tpu.yield
    }) : () -> ()
    %add3A_17 = arith.constant 224 : i32
    %add3A_18 = arith.addi %add3A, %add3A_17 : i32
    "tpu.region"() ({
      %run_scoped3A = tpu.sem_alloc : memref<!tpu.dma_semaphore, #tpu.memory_space<semaphore_mem>>
      %dma_start3A_28 = arith.constant 0 : i32
      %dma_start3A_29 = tpu.memref_slice %arg2[%add3A_18, %dma_start3A_28] : memref<8192x2048xf32, #tpu.memory_space<hbm>> -> memref<32x2048xf32, #tpu.memory_space<hbm>>
      %dma_start3A_30 = arith.constant 0 : i32
      %dma_start3A_31 = tpu.memref_slice %arg2[%add3A_18, %dma_start3A_30] : memref<8192x2048xf32, #tpu.memory_space<hbm>> -> memref<32x2048xf32, #tpu.memory_space<hbm>>
      tpu.enqueue_dma source(%dma_start3A_31 : memref<32x2048xf32, #tpu.memory_space<hbm>>) target(%arg7 : memref<32x2048xf32, #tpu.memory_space<vmem>>) target_semaphore(%run_scoped3A : memref<!tpu.dma_semaphore, #tpu.memory_space<semaphore_mem>>)
      %dma_wait3A_32 = arith.constant 0 : i32
      %dma_wait3A_33 = tpu.memref_slice %arg2[%add3A_18, %dma_wait3A_32] : memref<8192x2048xf32, #tpu.memory_space<hbm>> -> memref<32x2048xf32, #tpu.memory_space<hbm>>
      %dma_wait3A_34 = arith.constant 0 : i32
      %dma_wait3A_35 = tpu.memref_slice %arg2[%add3A_18, %dma_wait3A_34] : memref<8192x2048xf32, #tpu.memory_space<hbm>> -> memref<32x2048xf32, #tpu.memory_space<hbm>>
      tpu.wait_dma2 semaphore(%run_scoped3A : memref<!tpu.dma_semaphore, #tpu.memory_space<semaphore_mem>>) src(%dma_wait3A_35 : memref<32x2048xf32, #tpu.memory_space<hbm>>) dst(%arg7 : memref<32x2048xf32, #tpu.memory_space<vmem>>)
      tpu.yield
    }) : () -> ()
    "tpu.region"() ({
      %run_scoped3A = tpu.sem_alloc : memref<!tpu.dma_semaphore, #tpu.memory_space<semaphore_mem>>
      %dma_start3A_28 = arith.constant 0 : i32
      %dma_start3A_29 = tpu.memref_slice %arg5[%add3A_18, %dma_start3A_28] : memref<8192x2048xf32, #tpu.memory_space<hbm>> -> memref<32x2048xf32, #tpu.memory_space<hbm>>
      %dma_start3A_30 = arith.constant 0 : i32
      %dma_start3A_31 = tpu.memref_slice %arg5[%add3A_18, %dma_start3A_30] : memref<8192x2048xf32, #tpu.memory_space<hbm>> -> memref<32x2048xf32, #tpu.memory_space<hbm>>
      tpu.enqueue_dma source(%arg7 : memref<32x2048xf32, #tpu.memory_space<vmem>>) target(%dma_start3A_31 : memref<32x2048xf32, #tpu.memory_space<hbm>>) target_semaphore(%run_scoped3A : memref<!tpu.dma_semaphore, #tpu.memory_space<semaphore_mem>>)
      %dma_wait3A_32 = arith.constant 0 : i32
      %dma_wait3A_33 = tpu.memref_slice %arg5[%add3A_18, %dma_wait3A_32] : memref<8192x2048xf32, #tpu.memory_space<hbm>> -> memref<32x2048xf32, #tpu.memory_space<hbm>>
      %dma_wait3A_34 = arith.constant 0 : i32
      %dma_wait3A_35 = tpu.memref_slice %arg5[%add3A_18, %dma_wait3A_34] : memref<8192x2048xf32, #tpu.memory_space<hbm>> -> memref<32x2048xf32, #tpu.memory_space<hbm>>
      tpu.wait_dma2 semaphore(%run_scoped3A : memref<!tpu.dma_semaphore, #tpu.memory_space<semaphore_mem>>) src(%arg7 : memref<32x2048xf32, #tpu.memory_space<vmem>>) dst(%dma_wait3A_35 : memref<32x2048xf32, #tpu.memory_space<hbm>>)
      tpu.yield
    }) : () -> ()
    %barrier3A = arith.constant 0 : index
    tpu.barrier barrier_id(%barrier3A)
    %mul3A_19 = arith.constant 512 : i32
    %mul3A_20 = arith.muli %arg0, %mul3A_19 : i32
    %mul3A_21 = arith.constant 32 : i32
    %mul3A_22 = arith.muli %arg1, %mul3A_21 : i32
    %add3A_23 = arith.addi %mul3A_20, %mul3A_22 : i32
    "tpu.region"() ({
      %run_scoped3A = tpu.sem_alloc : memref<!tpu.dma_semaphore, #tpu.memory_space<semaphore_mem>>
      %dma_start3A_28 = tpu.memref_slice %arg4[%add3A_23] : memref<1024xi32, #tpu.memory_space<hbm>> -> memref<32xi32, #tpu.memory_space<hbm>>
      %dma_start3A_29 = tpu.memref_slice %arg4[%add3A_23] : memref<1024xi32, #tpu.memory_space<hbm>> -> memref<32xi32, #tpu.memory_space<hbm>>
      tpu.enqueue_dma source(%dma_start3A_29 : memref<32xi32, #tpu.memory_space<hbm>>) target(%arg6 : memref<32xi32, #tpu.memory_space<vmem>>) target_semaphore(%run_scoped3A : memref<!tpu.dma_semaphore, #tpu.memory_space<semaphore_mem>>)
      %dma_wait3A_30 = tpu.memref_slice %arg4[%add3A_23] : memref<1024xi32, #tpu.memory_space<hbm>> -> memref<32xi32, #tpu.memory_space<hbm>>
      %dma_wait3A_31 = tpu.memref_slice %arg4[%add3A_23] : memref<1024xi32, #tpu.memory_space<hbm>> -> memref<32xi32, #tpu.memory_space<hbm>>
      tpu.wait_dma2 semaphore(%run_scoped3A : memref<!tpu.dma_semaphore, #tpu.memory_space<semaphore_mem>>) src(%dma_wait3A_31 : memref<32xi32, #tpu.memory_space<hbm>>) dst(%arg6 : memref<32xi32, #tpu.memory_space<vmem>>)
      tpu.yield
    }) : () -> ()
    "tpu.region"() ({
      %run_scoped3A = tpu.sem_alloc : memref<!tpu.dma_semaphore, #tpu.memory_space<semaphore_mem>>
      %dma_start3A_28 = arith.constant 0 : i32
      %dma_start3A_29 = tpu.memref_slice %arg3[%add3A_23, %dma_start3A_28] : memref<1024x2048xf32, #tpu.memory_space<hbm>> -> memref<32x2048xf32, #tpu.memory_space<hbm>>
      %dma_start3A_30 = arith.constant 0 : i32
      %dma_start3A_31 = tpu.memref_slice %arg3[%add3A_23, %dma_start3A_30] : memref<1024x2048xf32, #tpu.memory_space<hbm>> -> memref<32x2048xf32, #tpu.memory_space<hbm>>
      tpu.enqueue_dma source(%dma_start3A_31 : memref<32x2048xf32, #tpu.memory_space<hbm>>) target(%arg7 : memref<32x2048xf32, #tpu.memory_space<vmem>>) target_semaphore(%run_scoped3A : memref<!tpu.dma_semaphore, #tpu.memory_space<semaphore_mem>>)
      %dma_wait3A_32 = arith.constant 0 : i32
      %dma_wait3A_33 = tpu.memref_slice %arg3[%add3A_23, %dma_wait3A_32] : memref<1024x2048xf32, #tpu.memory_space<hbm>> -> memref<32x2048xf32, #tpu.memory_space<hbm>>
      %dma_wait3A_34 = arith.constant 0 : i32
      %dma_wait3A_35 = tpu.memref_slice %arg3[%add3A_23, %dma_wait3A_34] : memref<1024x2048xf32, #tpu.memory_space<hbm>> -> memref<32x2048xf32, #tpu.memory_space<hbm>>
      tpu.wait_dma2 semaphore(%run_scoped3A : memref<!tpu.dma_semaphore, #tpu.memory_space<semaphore_mem>>) src(%dma_wait3A_35 : memref<32x2048xf32, #tpu.memory_space<hbm>>) dst(%arg7 : memref<32x2048xf32, #tpu.memory_space<vmem>>)
      tpu.yield
    }) : () -> ()
    %dma_start3A = arith.constant 0 : i32
    %dma_start3A_24 = arith.constant 0 : i32
    %dma_start3A_25 = tpu.memref_slice %arg5[%dma_start3A, %dma_start3A_24] : memref<8192x2048xf32, #tpu.memory_space<hbm>> -> memref<8192x2048xf32, #tpu.memory_space<hbm>>
    tpu.enqueue_indirect_dma source(%arg7 : memref<32x2048xf32, #tpu.memory_space<vmem>>) target(%dma_start3A_25 : memref<8192x2048xf32, #tpu.memory_space<hbm>>) offsets(%arg6 : memref<32xi32, #tpu.memory_space<vmem>>) semaphore(%arg8 : memref<!tpu.dma_semaphore, #tpu.memory_space<semaphore_mem>>)
    %dma_wait3A = arith.constant 0 : i32
    %dma_wait3A_26 = arith.constant 0 : i32
    %dma_wait3A_27 = tpu.memref_slice %arg5[%dma_wait3A, %dma_wait3A_26] : memref<8192x2048xf32, #tpu.memory_space<hbm>> -> memref<8192x2048xf32, #tpu.memory_space<hbm>>
    tpu.wait_indirect_dma semaphore(%arg8 : memref<!tpu.dma_semaphore, #tpu.memory_space<semaphore_mem>>) src(%arg7 : memref<32x2048xf32, #tpu.memory_space<vmem>>) dst(%dma_wait3A_27 : memref<8192x2048xf32, #tpu.memory_space<hbm>>)
    return
  }
}

module attributes {stable_mosaic.version = 14 : i64} {
  func.func @body(%arg0: i32, %arg1: memref<1024x2048xf32, #tpu.memory_space<vmem>>, %arg2: memref<1x2048xf32, #tpu.memory_space<vmem>>, %arg3: memref<2048x256xf32, #tpu.memory_space<vmem>>, %arg4: memref<1x256xf32, #tpu.memory_space<vmem>>, %arg5: memref<2048x256xf32, #tpu.memory_space<vmem>>, %arg6: memref<1x256xf32, #tpu.memory_space<vmem>>, %arg7: memref<2048x256xf32, #tpu.memory_space<vmem>>, %arg8: memref<1x256xf32, #tpu.memory_space<vmem>>, %arg9: memref<1024x1xi32, #tpu.memory_space<vmem>>, %arg10: memref<256x256xbf16, #tpu.memory_space<vmem>>, %arg11: memref<1024x256xbf16, #tpu.memory_space<vmem>>, %arg12: memref<1024x256xbf16, #tpu.memory_space<vmem>>, %arg13: memref<1024x256xbf16, #tpu.memory_space<vmem>>) attributes {dimension_semantics = [#tpu.dimension_semantics<arbitrary>], iteration_bounds = array<i64: 8>, scalar_prefetch = 0 : i64, scratch_operands = 0 : i64, tpu.core_type = #tpu.core_type<tc>, window_params = [{pipeline_mode = #tpu.pipeline_mode<synchronous>, transform_indices = @transform_0, window_bounds = array<i64: 1024, 2048>}, {pipeline_mode = #tpu.pipeline_mode<synchronous>, transform_indices = @transform_1, window_bounds = array<i64: 1, 2048>}, {transform_indices = @transform_2, window_bounds = array<i64: 2048, 256>}, {transform_indices = @transform_3, window_bounds = array<i64: 1, 256>}, {transform_indices = @transform_4, window_bounds = array<i64: 2048, 256>}, {transform_indices = @transform_5, window_bounds = array<i64: 1, 256>}, {transform_indices = @transform_6, window_bounds = array<i64: 2048, 256>}, {transform_indices = @transform_7, window_bounds = array<i64: 1, 256>}, {pipeline_mode = #tpu.pipeline_mode<synchronous>, transform_indices = @transform_8, window_bounds = array<i64: 1024, 1>}, {pipeline_mode = #tpu.pipeline_mode<synchronous>, transform_indices = @transform_9, window_bounds = array<i64: 256, 256>}, {transform_indices = @transform_10, window_bounds = array<i64: 1024, 256>}, {transform_indices = @transform_11, window_bounds = array<i64: 1024, 256>}, {transform_indices = @transform_12, window_bounds = array<i64: 1024, 256>}]} {
    %get3A = arith.constant 0 : index
    %get3A_0 = arith.constant 0 : index
    %get3A_1 = vector.load %arg1[%get3A, %get3A_0] : memref<1024x2048xf32, #tpu.memory_space<vmem>>, vector<1024x2048xf32>
    %mul3A = arith.mulf %get3A_1, %get3A_1 : vector<1024x2048xf32>
    %reduce_sum3A = arith.constant dense<0.000000e+00> : vector<1024xf32>
    %reduce_sum3A_2 = vector.multi_reduction <add>, %mul3A, %reduce_sum3A [1] : vector<1024x2048xf32> to vector<1024xf32>
    %broadcast_in_dim3A = vector.shape_cast %reduce_sum3A_2 : vector<1024xf32> to vector<1024x1xf32>
    %div3A = arith.constant 2.048000e+03 : f32
    %div3A_3 = vector.broadcast %div3A : f32 to vector<1024x1xf32>
    %div3A_4 = arith.divf %broadcast_in_dim3A, %div3A_3 : vector<1024x1xf32>
    %add3A = arith.constant 9.99999997E-7 : f32
    %add3A_5 = vector.broadcast %add3A : f32 to vector<1024x1xf32>
    %add3A_6 = arith.addf %div3A_4, %add3A_5 : vector<1024x1xf32>
    %rsqrt3A = math.rsqrt %add3A_6 : vector<1024x1xf32>
    %mul3A_7 = vector.broadcast %rsqrt3A : vector<1024x1xf32> to vector<1024x2048xf32>
    %mul3A_8 = arith.mulf %get3A_1, %mul3A_7 : vector<1024x2048xf32>
    %get3A_9 = arith.constant 0 : index
    %get3A_10 = arith.constant 0 : index
    %get3A_11 = vector.load %arg2[%get3A_9, %get3A_10] : memref<1x2048xf32, #tpu.memory_space<vmem>>, vector<1x2048xf32>
    %mul3A_12 = vector.broadcast %get3A_11 : vector<1x2048xf32> to vector<1024x2048xf32>
    %mul3A_13 = arith.mulf %mul3A_8, %mul3A_12 : vector<1024x2048xf32>
    %convert_element_type3A = arith.truncf %mul3A_13 : vector<1024x2048xf32> to vector<1024x2048xbf16>
    %get3A_14 = arith.constant 0 : index
    %get3A_15 = arith.constant 0 : index
    %get3A_16 = vector.load %arg9[%get3A_14, %get3A_15] : memref<1024x1xi32, #tpu.memory_space<vmem>>, vector<1024x1xi32>
    %convert_element_type3A_17 = arith.sitofp %get3A_16 : vector<1024x1xi32> to vector<1024x1xf32>
    %iota3A = tpu.iota {dimensions = array<i32: 1>} : vector<1x128xi32>
    %and3A = arith.constant 63 : i32
    %and3A_18 = vector.broadcast %and3A : i32 to vector<1x128xi32>
    %and3A_19 = arith.andi %iota3A, %and3A_18 : vector<1x128xi32>
    %convert_element_type3A_20 = arith.sitofp %and3A_19 : vector<1x128xi32> to vector<1x128xf32>
    %log3A = arith.constant 1.000000e+06 : f32
    %log3A_21 = math.log %log3A : f32
    %mul3A_22 = arith.constant -2.000000e+00 : f32
    %mul3A_23 = arith.mulf %mul3A_22, %log3A_21 : f32
    %div3A_24 = arith.constant 1.280000e+02 : f32
    %div3A_25 = arith.divf %mul3A_23, %div3A_24 : f32
    %mul3A_26 = vector.broadcast %div3A_25 : f32 to vector<1x128xf32>
    %mul3A_27 = arith.mulf %convert_element_type3A_20, %mul3A_26 : vector<1x128xf32>
    %exp3A = math.exp %mul3A_27 : vector<1x128xf32>
    %mul3A_28 = vector.broadcast %convert_element_type3A_17 : vector<1024x1xf32> to vector<1024x128xf32>
    %mul3A_29 = vector.broadcast %exp3A : vector<1x128xf32> to vector<1024x128xf32>
    %mul3A_30 = arith.mulf %mul3A_28, %mul3A_29 : vector<1024x128xf32>
    %cos3A = math.cos %mul3A_30 : vector<1024x128xf32>
    %broadcast_in_dim3A_31 = vector.shape_cast %cos3A : vector<1024x128xf32> to vector<1024x1x128xf32>
    %sin3A = math.sin %mul3A_30 : vector<1024x128xf32>
    %broadcast_in_dim3A_32 = vector.shape_cast %sin3A : vector<1024x128xf32> to vector<1024x1x128xf32>
    %get3A_33 = arith.constant 0 : index
    %get3A_34 = arith.constant 0 : index
    %get3A_35 = vector.load %arg3[%get3A_33, %get3A_34] : memref<2048x256xf32, #tpu.memory_space<vmem>>, vector<2048x256xf32>
    %convert_element_type3A_36 = arith.truncf %get3A_35 : vector<2048x256xf32> to vector<2048x256xbf16>
    %dot_general3A = arith.constant dense<0.000000e+00> : vector<1024x256xf32>
    %dot_general3A_37 = tpu.matmul %convert_element_type3A, %convert_element_type3A_36, %dot_general3A {dimension_numbers = #tpu.dot_dimension_numbers<[1], [0], [0], [1], [0, 0, 1, 1], [], []>, transpose_lhs_hint = false} : vector<1024x2048xbf16>, vector<2048x256xbf16>, vector<1024x256xf32> -> vector<1024x256xf32>
    %get3A_38 = arith.constant 0 : index
    %get3A_39 = arith.constant 0 : index
    %get3A_40 = vector.load %arg4[%get3A_38, %get3A_39] : memref<1x256xf32, #tpu.memory_space<vmem>>, vector<1x256xf32>
    %add3A_41 = vector.broadcast %get3A_40 : vector<1x256xf32> to vector<1024x256xf32>
    %add3A_42 = arith.addf %dot_general3A_37, %add3A_41 : vector<1024x256xf32>
    %convert_element_type3A_43 = arith.truncf %add3A_42 : vector<1024x256xf32> to vector<1024x256xbf16>
    %get3A_44 = arith.constant 0 : index
    %get3A_45 = arith.constant 0 : index
    %get3A_46 = vector.load %arg10[%get3A_44, %get3A_45] : memref<256x256xbf16, #tpu.memory_space<vmem>>, vector<256x256xbf16>
    %dot_general3A_47 = arith.constant dense<0.000000e+00> : vector<1024x256xf32>
    %dot_general3A_48 = tpu.matmul %convert_element_type3A_43, %get3A_46, %dot_general3A_47 {dimension_numbers = #tpu.dot_dimension_numbers<[1], [0], [0], [1], [0, 0, 1, 1], [], []>, transpose_lhs_hint = false} : vector<1024x256xbf16>, vector<256x256xbf16>, vector<1024x256xf32> -> vector<1024x256xf32>
    %reshape3A = vector.shape_cast %add3A_42 : vector<1024x256xf32> to vector<1024x2x128xf32>
    %reshape3A_49 = vector.shape_cast %dot_general3A_48 : vector<1024x256xf32> to vector<1024x2x128xf32>
    %mul3A_50 = vector.broadcast %broadcast_in_dim3A_31 : vector<1024x1x128xf32> to vector<1024x2x128xf32>
    %mul3A_51 = arith.mulf %reshape3A, %mul3A_50 : vector<1024x2x128xf32>
    %mul3A_52 = vector.broadcast %broadcast_in_dim3A_32 : vector<1024x1x128xf32> to vector<1024x2x128xf32>
    %mul3A_53 = arith.mulf %reshape3A_49, %mul3A_52 : vector<1024x2x128xf32>
    %add3A_54 = arith.addf %mul3A_51, %mul3A_53 : vector<1024x2x128xf32>
    %mul3A_55 = arith.constant 0.0883883461 : f32
    %mul3A_56 = vector.broadcast %mul3A_55 : f32 to vector<1024x2x128xf32>
    %mul3A_57 = arith.mulf %mul3A_56, %add3A_54 : vector<1024x2x128xf32>
    %reshape3A_58 = vector.shape_cast %mul3A_57 : vector<1024x2x128xf32> to vector<1024x256xf32>
    %convert_element_type3A_59 = arith.truncf %reshape3A_58 : vector<1024x256xf32> to vector<1024x256xbf16>
    %swap3A = arith.constant 0 : index
    %swap3A_60 = arith.constant 0 : index
    %swap3A_61 = vector.load %arg11[%swap3A, %swap3A_60] : memref<1024x256xbf16, #tpu.memory_space<vmem>>, vector<1024x256xbf16>
    tpu.vector_store %arg11[%swap3A, %swap3A_60], %convert_element_type3A_59 {strides = array<i32>} : memref<1024x256xbf16, #tpu.memory_space<vmem>>, vector<1024x256xbf16>,
    %get3A_62 = arith.constant 0 : index
    %get3A_63 = arith.constant 0 : index
    %get3A_64 = vector.load %arg5[%get3A_62, %get3A_63] : memref<2048x256xf32, #tpu.memory_space<vmem>>, vector<2048x256xf32>
    %convert_element_type3A_65 = arith.truncf %get3A_64 : vector<2048x256xf32> to vector<2048x256xbf16>
    %dot_general3A_66 = arith.constant dense<0.000000e+00> : vector<1024x256xf32>
    %dot_general3A_67 = tpu.matmul %convert_element_type3A, %convert_element_type3A_65, %dot_general3A_66 {dimension_numbers = #tpu.dot_dimension_numbers<[1], [0], [0], [1], [0, 0, 1, 1], [], []>, transpose_lhs_hint = false} : vector<1024x2048xbf16>, vector<2048x256xbf16>, vector<1024x256xf32> -> vector<1024x256xf32>
    %get3A_68 = arith.constant 0 : index
    %get3A_69 = arith.constant 0 : index
    %get3A_70 = vector.load %arg6[%get3A_68, %get3A_69] : memref<1x256xf32, #tpu.memory_space<vmem>>, vector<1x256xf32>
    %add3A_71 = vector.broadcast %get3A_70 : vector<1x256xf32> to vector<1024x256xf32>
    %add3A_72 = arith.addf %dot_general3A_67, %add3A_71 : vector<1024x256xf32>
    %convert_element_type3A_73 = arith.truncf %add3A_72 : vector<1024x256xf32> to vector<1024x256xbf16>
    %get3A_74 = arith.constant 0 : index
    %get3A_75 = arith.constant 0 : index
    %get3A_76 = vector.load %arg10[%get3A_74, %get3A_75] : memref<256x256xbf16, #tpu.memory_space<vmem>>, vector<256x256xbf16>
    %dot_general3A_77 = arith.constant dense<0.000000e+00> : vector<1024x256xf32>
    %dot_general3A_78 = tpu.matmul %convert_element_type3A_73, %get3A_76, %dot_general3A_77 {dimension_numbers = #tpu.dot_dimension_numbers<[1], [0], [0], [1], [0, 0, 1, 1], [], []>, transpose_lhs_hint = false} : vector<1024x256xbf16>, vector<256x256xbf16>, vector<1024x256xf32> -> vector<1024x256xf32>
    %reshape3A_79 = vector.shape_cast %add3A_72 : vector<1024x256xf32> to vector<1024x2x128xf32>
    %reshape3A_80 = vector.shape_cast %dot_general3A_78 : vector<1024x256xf32> to vector<1024x2x128xf32>
    %mul3A_81 = vector.broadcast %broadcast_in_dim3A_31 : vector<1024x1x128xf32> to vector<1024x2x128xf32>
    %mul3A_82 = arith.mulf %reshape3A_79, %mul3A_81 : vector<1024x2x128xf32>
    %mul3A_83 = vector.broadcast %broadcast_in_dim3A_32 : vector<1024x1x128xf32> to vector<1024x2x128xf32>
    %mul3A_84 = arith.mulf %reshape3A_80, %mul3A_83 : vector<1024x2x128xf32>
    %add3A_85 = arith.addf %mul3A_82, %mul3A_84 : vector<1024x2x128xf32>
    %mul3A_86 = arith.constant 1.000000e+00 : f32
    %mul3A_87 = vector.broadcast %mul3A_86 : f32 to vector<1024x2x128xf32>
    %mul3A_88 = arith.mulf %mul3A_87, %add3A_85 : vector<1024x2x128xf32>
    %reshape3A_89 = vector.shape_cast %mul3A_88 : vector<1024x2x128xf32> to vector<1024x256xf32>
    %convert_element_type3A_90 = arith.truncf %reshape3A_89 : vector<1024x256xf32> to vector<1024x256xbf16>
    %swap3A_91 = arith.constant 0 : index
    %swap3A_92 = arith.constant 0 : index
    %swap3A_93 = vector.load %arg12[%swap3A_91, %swap3A_92] : memref<1024x256xbf16, #tpu.memory_space<vmem>>, vector<1024x256xbf16>
    tpu.vector_store %arg12[%swap3A_91, %swap3A_92], %convert_element_type3A_90 {strides = array<i32>} : memref<1024x256xbf16, #tpu.memory_space<vmem>>, vector<1024x256xbf16>,
    %get3A_94 = arith.constant 0 : index
    %get3A_95 = arith.constant 0 : index
    %get3A_96 = vector.load %arg7[%get3A_94, %get3A_95] : memref<2048x256xf32, #tpu.memory_space<vmem>>, vector<2048x256xf32>
    %convert_element_type3A_97 = arith.truncf %get3A_96 : vector<2048x256xf32> to vector<2048x256xbf16>
    %dot_general3A_98 = arith.constant dense<0.000000e+00> : vector<1024x256xf32>
    %dot_general3A_99 = tpu.matmul %convert_element_type3A, %convert_element_type3A_97, %dot_general3A_98 {dimension_numbers = #tpu.dot_dimension_numbers<[1], [0], [0], [1], [0, 0, 1, 1], [], []>, transpose_lhs_hint = false} : vector<1024x2048xbf16>, vector<2048x256xbf16>, vector<1024x256xf32> -> vector<1024x256xf32>
    %get3A_100 = arith.constant 0 : index
    %get3A_101 = arith.constant 0 : index
    %get3A_102 = vector.load %arg8[%get3A_100, %get3A_101] : memref<1x256xf32, #tpu.memory_space<vmem>>, vector<1x256xf32>
    %add3A_103 = vector.broadcast %get3A_102 : vector<1x256xf32> to vector<1024x256xf32>
    %add3A_104 = arith.addf %dot_general3A_99, %add3A_103 : vector<1024x256xf32>
    %mul3A_105 = arith.constant 1.000000e+00 : f32
    %mul3A_106 = vector.broadcast %mul3A_105 : f32 to vector<1024x256xf32>
    %mul3A_107 = arith.mulf %add3A_104, %mul3A_106 : vector<1024x256xf32>
    %convert_element_type3A_108 = arith.truncf %mul3A_107 : vector<1024x256xf32> to vector<1024x256xbf16>
    %swap3A_109 = arith.constant 0 : index
    %swap3A_110 = arith.constant 0 : index
    %swap3A_111 = vector.load %arg13[%swap3A_109, %swap3A_110] : memref<1024x256xbf16, #tpu.memory_space<vmem>>, vector<1024x256xbf16>
    tpu.vector_store %arg13[%swap3A_109, %swap3A_110], %convert_element_type3A_108 {strides = array<i32>} : memref<1024x256xbf16, #tpu.memory_space<vmem>>, vector<1024x256xbf16>,
    return
  }
  func.func @transform_0(%arg0: i32) -> (i32, i32) {
    %c0_i32 = arith.constant 0 : i32
    %c0_i32_0 = arith.constant 0 : i32
    %c0_i32_1 = arith.constant 0 : i32
    return %c0_i32, %c0_i32_0 : i32, i32
  }
  func.func @transform_1(%arg0: i32) -> (i32, i32) {
    %c0_i32 = arith.constant 0 : i32
    %c0_i32_0 = arith.constant 0 : i32
    %c0_i32_1 = arith.constant 0 : i32
    return %c0_i32, %c0_i32_0 : i32, i32
  }
  func.func @transform_2(%arg0: i32) -> (i32, i32) {
    %c0_i32 = arith.constant 0 : i32
    %c0_i32_0 = arith.constant 0 : i32
    return %c0_i32, %arg0 : i32, i32
  }
  func.func @transform_3(%arg0: i32) -> (i32, i32) {
    %c0_i32 = arith.constant 0 : i32
    %c0_i32_0 = arith.constant 0 : i32
    return %c0_i32, %arg0 : i32, i32
  }
  func.func @transform_4(%arg0: i32) -> (i32, i32) {
    %c0_i32 = arith.constant 0 : i32
    %c0_i32_0 = arith.constant 0 : i32
    return %c0_i32, %arg0 : i32, i32
  }
  func.func @transform_5(%arg0: i32) -> (i32, i32) {
    %c0_i32 = arith.constant 0 : i32
    %c0_i32_0 = arith.constant 0 : i32
    return %c0_i32, %arg0 : i32, i32
  }
  func.func @transform_6(%arg0: i32) -> (i32, i32) {
    %c0_i32 = arith.constant 0 : i32
    %c0_i32_0 = arith.constant 0 : i32
    return %c0_i32, %arg0 : i32, i32
  }
  func.func @transform_7(%arg0: i32) -> (i32, i32) {
    %c0_i32 = arith.constant 0 : i32
    %c0_i32_0 = arith.constant 0 : i32
    return %c0_i32, %arg0 : i32, i32
  }
  func.func @transform_8(%arg0: i32) -> (i32, i32) {
    %c0_i32 = arith.constant 0 : i32
    %c0_i32_0 = arith.constant 0 : i32
    %c0_i32_1 = arith.constant 0 : i32
    return %c0_i32, %c0_i32_0 : i32, i32
  }
  func.func @transform_9(%arg0: i32) -> (i32, i32) {
    %c0_i32 = arith.constant 0 : i32
    %c0_i32_0 = arith.constant 0 : i32
    %c0_i32_1 = arith.constant 0 : i32
    return %c0_i32, %c0_i32_0 : i32, i32
  }
  func.func @transform_10(%arg0: i32) -> (i32, i32) {
    %c0_i32 = arith.constant 0 : i32
    %c0_i32_0 = arith.constant 0 : i32
    return %c0_i32, %arg0 : i32, i32
  }
  func.func @transform_11(%arg0: i32) -> (i32, i32) {
    %c0_i32 = arith.constant 0 : i32
    %c0_i32_0 = arith.constant 0 : i32
    return %c0_i32, %arg0 : i32, i32
  }
  func.func @transform_12(%arg0: i32) -> (i32, i32) {
    %c0_i32 = arith.constant 0 : i32
    %c0_i32_0 = arith.constant 0 : i32
    return %c0_i32, %arg0 : i32, i32
  }
}

module attributes {stable_mosaic.version = 14 : i64} {
  func.func @body(%arg0: i32, %arg1: memref<1024x128xbf16, #tpu.memory_space<vmem>>, %arg2: memref<1024x128xbf16, #tpu.memory_space<vmem>>, %arg3: memref<1024x128xbf16, #tpu.memory_space<vmem>>, %arg4: memref<1024x128xbf16, #tpu.memory_space<vmem>>) attributes {dimension_semantics = [#tpu.dimension_semantics<arbitrary>], iteration_bounds = array<i64: 16>, scalar_prefetch = 0 : i64, scratch_operands = 0 : i64, tpu.core_type = #tpu.core_type<tc>, window_params = [{transform_indices = @transform_0, window_bounds = array<i64: 1024, 128>}, {transform_indices = @transform_1, window_bounds = array<i64: 1024, 128>}, {transform_indices = @transform_2, window_bounds = array<i64: 1024, 128>}, {transform_indices = @transform_3, window_bounds = array<i64: 1024, 128>}]} {
    %get3A = arith.constant 0 : index
    %get3A_0 = arith.constant 0 : index
    %get3A_1 = vector.load %arg1[%get3A, %get3A_0] : memref<1024x128xbf16, #tpu.memory_space<vmem>>, vector<1024x128xbf16>
    %get3A_2 = arith.constant 0 : index
    %get3A_3 = arith.constant 0 : index
    %get3A_4 = vector.load %arg2[%get3A_2, %get3A_3] : memref<1024x128xbf16, #tpu.memory_space<vmem>>, vector<1024x128xbf16>
    %dot_general3A = arith.constant dense<0.000000e+00> : vector<1024x1024xf32>
    %dot_general3A_5 = tpu.matmul %get3A_1, %get3A_4, %dot_general3A {dimension_numbers = #tpu.dot_dimension_numbers<[1], [1], [0], [0], [0, 0, 1, 0], [], []>, transpose_lhs_hint = false} : vector<1024x128xbf16>, vector<1024x128xbf16>, vector<1024x1024xf32> -> vector<1024x1024xf32>
    %iota3A = tpu.iota {dimensions = array<i32: 0>} : vector<1024x1024xi32>
    %iota3A_6 = tpu.iota {dimensions = array<i32: 1>} : vector<1024x1024xi32>
    %le3A = arith.cmpi sle, %iota3A_6, %iota3A : vector<1024x1024xi32>
    %jit3A = arith.constant 0.000000e+00 : f32
    %jit3A_7 = arith.constant -1.000000e+09 : f32
    %broadcast_in_dim3A = vector.broadcast %jit3A : f32 to vector<1024x1024xf32>
    %broadcast_in_dim3A_8 = vector.broadcast %jit3A_7 : f32 to vector<1024x1024xf32>
    %select_n3A = arith.select %le3A, %broadcast_in_dim3A, %broadcast_in_dim3A_8 : vector<1024x1024xi1>, vector<1024x1024xf32>
    %add3A = arith.addf %dot_general3A_5, %select_n3A : vector<1024x1024xf32>
    %reduce_max3A = arith.constant dense<0xFF800000> : vector<1024xf32>
    %reduce_max3A_9 = vector.multi_reduction <maximumf>, %add3A, %reduce_max3A [1] : vector<1024x1024xf32> to vector<1024xf32>
    %broadcast_in_dim3A_10 = vector.shape_cast %reduce_max3A_9 : vector<1024xf32> to vector<1024x1xf32>
    %sub3A = vector.broadcast %broadcast_in_dim3A_10 : vector<1024x1xf32> to vector<1024x1024xf32>
    %sub3A_11 = arith.subf %add3A, %sub3A : vector<1024x1024xf32>
    %exp3A = math.exp %sub3A_11 : vector<1024x1024xf32>
    %reduce_sum3A = arith.constant dense<0.000000e+00> : vector<1024xf32>
    %reduce_sum3A_12 = vector.multi_reduction <add>, %exp3A, %reduce_sum3A [1] : vector<1024x1024xf32> to vector<1024xf32>
    %broadcast_in_dim3A_13 = vector.shape_cast %reduce_sum3A_12 : vector<1024xf32> to vector<1024x1xf32>
    %div3A = vector.broadcast %broadcast_in_dim3A_13 : vector<1024x1xf32> to vector<1024x1024xf32>
    %div3A_14 = arith.divf %exp3A, %div3A : vector<1024x1024xf32>
    %convert_element_type3A = arith.truncf %div3A_14 : vector<1024x1024xf32> to vector<1024x1024xbf16>
    %get3A_15 = arith.constant 0 : index
    %get3A_16 = arith.constant 0 : index
    %get3A_17 = vector.load %arg3[%get3A_15, %get3A_16] : memref<1024x128xbf16, #tpu.memory_space<vmem>>, vector<1024x128xbf16>
    %dot_general3A_18 = arith.constant dense<0.000000e+00> : vector<1024x128xf32>
    %dot_general3A_19 = tpu.matmul %convert_element_type3A, %get3A_17, %dot_general3A_18 {dimension_numbers = #tpu.dot_dimension_numbers<[1], [0], [0], [1], [0, 0, 1, 1], [], []>, transpose_lhs_hint = false} : vector<1024x1024xbf16>, vector<1024x128xbf16>, vector<1024x128xf32> -> vector<1024x128xf32>
    %convert_element_type3A_20 = arith.truncf %dot_general3A_19 : vector<1024x128xf32> to vector<1024x128xbf16>
    %swap3A = arith.constant 0 : index
    %swap3A_21 = arith.constant 0 : index
    %swap3A_22 = vector.load %arg4[%swap3A, %swap3A_21] : memref<1024x128xbf16, #tpu.memory_space<vmem>>, vector<1024x128xbf16>
    tpu.vector_store %arg4[%swap3A, %swap3A_21], %convert_element_type3A_20 {strides = array<i32>} : memref<1024x128xbf16, #tpu.memory_space<vmem>>, vector<1024x128xbf16>,
    return
  }
  func.func @transform_0(%arg0: i32) -> (i32, i32) {
    %c0_i32 = arith.constant 0 : i32
    %c0_i32_0 = arith.constant 0 : i32
    return %c0_i32, %arg0 : i32, i32
  }
  func.func @transform_1(%arg0: i32) -> (i32, i32) {
    %c0_i32 = arith.constant 0 : i32
    %c0_i32_0 = arith.constant 0 : i32
    return %c0_i32, %arg0 : i32, i32
  }
  func.func @transform_2(%arg0: i32) -> (i32, i32) {
    %c0_i32 = arith.constant 0 : i32
    %c0_i32_0 = arith.constant 0 : i32
    return %c0_i32, %arg0 : i32, i32
  }
  func.func @transform_3(%arg0: i32) -> (i32, i32) {
    %c0_i32 = arith.constant 0 : i32
    %c0_i32_0 = arith.constant 0 : i32
    return %c0_i32, %arg0 : i32, i32
  }
}

module attributes {stable_mosaic.version = 14 : i64} {
  func.func @body(%arg0: i32, %arg1: memref<1024x2048xbf16, #tpu.memory_space<vmem>>, %arg2: memref<2048x512xf32, #tpu.memory_space<vmem>>, %arg3: memref<1024x512xf32, #tpu.memory_space<vmem>>, %arg4: memref<1024x512xf32, #tpu.memory_space<vmem>>) attributes {dimension_semantics = [#tpu.dimension_semantics<arbitrary>], iteration_bounds = array<i64: 4>, scalar_prefetch = 0 : i64, scratch_operands = 0 : i64, tpu.core_type = #tpu.core_type<tc>, window_params = [{pipeline_mode = #tpu.pipeline_mode<synchronous>, transform_indices = @transform_0, window_bounds = array<i64: 1024, 2048>}, {transform_indices = @transform_1, window_bounds = array<i64: 2048, 512>}, {transform_indices = @transform_2, window_bounds = array<i64: 1024, 512>}, {transform_indices = @transform_3, window_bounds = array<i64: 1024, 512>}]} {
    %get3A = arith.constant 0 : index
    %get3A_0 = arith.constant 0 : index
    %get3A_1 = vector.load %arg1[%get3A, %get3A_0] : memref<1024x2048xbf16, #tpu.memory_space<vmem>>, vector<1024x2048xbf16>
    %get3A_2 = arith.constant 0 : index
    %get3A_3 = arith.constant 0 : index
    %get3A_4 = vector.load %arg2[%get3A_2, %get3A_3] : memref<2048x512xf32, #tpu.memory_space<vmem>>, vector<2048x512xf32>
    %convert_element_type3A = arith.truncf %get3A_4 : vector<2048x512xf32> to vector<2048x512xbf16>
    %dot_general3A = arith.constant dense<0.000000e+00> : vector<1024x512xf32>
    %dot_general3A_5 = tpu.matmul %get3A_1, %convert_element_type3A, %dot_general3A {dimension_numbers = #tpu.dot_dimension_numbers<[1], [0], [0], [1], [0, 0, 1, 1], [], []>, transpose_lhs_hint = false} : vector<1024x2048xbf16>, vector<2048x512xbf16>, vector<1024x512xf32> -> vector<1024x512xf32>
    %get3A_6 = arith.constant 0 : index
    %get3A_7 = arith.constant 0 : index
    %get3A_8 = vector.load %arg3[%get3A_6, %get3A_7] : memref<1024x512xf32, #tpu.memory_space<vmem>>, vector<1024x512xf32>
    %add3A = arith.addf %dot_general3A_5, %get3A_8 : vector<1024x512xf32>
    %swap3A = arith.constant 0 : index
    %swap3A_9 = arith.constant 0 : index
    %swap3A_10 = vector.load %arg4[%swap3A, %swap3A_9] : memref<1024x512xf32, #tpu.memory_space<vmem>>, vector<1024x512xf32>
    tpu.vector_store %arg4[%swap3A, %swap3A_9], %add3A {strides = array<i32>} : memref<1024x512xf32, #tpu.memory_space<vmem>>, vector<1024x512xf32>,
    return
  }
  func.func @transform_0(%arg0: i32) -> (i32, i32) {
    %c0_i32 = arith.constant 0 : i32
    %c0_i32_0 = arith.constant 0 : i32
    %c0_i32_1 = arith.constant 0 : i32
    return %c0_i32, %c0_i32_0 : i32, i32
  }
  func.func @transform_1(%arg0: i32) -> (i32, i32) {
    %c0_i32 = arith.constant 0 : i32
    %c0_i32_0 = arith.constant 0 : i32
    return %c0_i32, %arg0 : i32, i32
  }
  func.func @transform_2(%arg0: i32) -> (i32, i32) {
    %c0_i32 = arith.constant 0 : i32
    %c0_i32_0 = arith.constant 0 : i32
    return %c0_i32, %arg0 : i32, i32
  }
  func.func @transform_3(%arg0: i32) -> (i32, i32) {
    %c0_i32 = arith.constant 0 : i32
    %c0_i32_0 = arith.constant 0 : i32
    return %c0_i32, %arg0 : i32, i32
  }
}

module attributes {stable_mosaic.version = 14 : i64} {
  func.func @body(%arg0: i32, %arg1: i32, %arg2: memref<1024x2048xf32, #tpu.memory_space<vmem>>, %arg3: memref<1x2048xf32, #tpu.memory_space<vmem>>, %arg4: memref<2048x512xf32, #tpu.memory_space<vmem>>, %arg5: memref<2048x512xf32, #tpu.memory_space<vmem>>, %arg6: memref<1024x512xbf16, #tpu.memory_space<vmem>>) attributes {dimension_semantics = [#tpu.dimension_semantics<arbitrary>, #tpu.dimension_semantics<arbitrary>], iteration_bounds = array<i64: 1, 11>, scalar_prefetch = 0 : i64, scratch_operands = 0 : i64, tpu.core_type = #tpu.core_type<tc>, window_params = [{transform_indices = @transform_0, window_bounds = array<i64: 1024, 2048>}, {pipeline_mode = #tpu.pipeline_mode<synchronous>, transform_indices = @transform_1, window_bounds = array<i64: 1, 2048>}, {transform_indices = @transform_2, window_bounds = array<i64: 2048, 512>}, {transform_indices = @transform_3, window_bounds = array<i64: 2048, 512>}, {transform_indices = @transform_4, window_bounds = array<i64: 1024, 512>}]} {
    %get3A = arith.constant 0 : index
    %get3A_0 = arith.constant 0 : index
    %get3A_1 = vector.load %arg2[%get3A, %get3A_0] : memref<1024x2048xf32, #tpu.memory_space<vmem>>, vector<1024x2048xf32>
    %mul3A = arith.mulf %get3A_1, %get3A_1 : vector<1024x2048xf32>
    %reduce_sum3A = arith.constant dense<0.000000e+00> : vector<1024xf32>
    %reduce_sum3A_2 = vector.multi_reduction <add>, %mul3A, %reduce_sum3A [1] : vector<1024x2048xf32> to vector<1024xf32>
    %broadcast_in_dim3A = vector.shape_cast %reduce_sum3A_2 : vector<1024xf32> to vector<1024x1xf32>
    %div3A = arith.constant 2.048000e+03 : f32
    %div3A_3 = vector.broadcast %div3A : f32 to vector<1024x1xf32>
    %div3A_4 = arith.divf %broadcast_in_dim3A, %div3A_3 : vector<1024x1xf32>
    %add3A = arith.constant 9.99999997E-7 : f32
    %add3A_5 = vector.broadcast %add3A : f32 to vector<1024x1xf32>
    %add3A_6 = arith.addf %div3A_4, %add3A_5 : vector<1024x1xf32>
    %rsqrt3A = math.rsqrt %add3A_6 : vector<1024x1xf32>
    %mul3A_7 = vector.broadcast %rsqrt3A : vector<1024x1xf32> to vector<1024x2048xf32>
    %mul3A_8 = arith.mulf %get3A_1, %mul3A_7 : vector<1024x2048xf32>
    %get3A_9 = arith.constant 0 : index
    %get3A_10 = arith.constant 0 : index
    %get3A_11 = vector.load %arg3[%get3A_9, %get3A_10] : memref<1x2048xf32, #tpu.memory_space<vmem>>, vector<1x2048xf32>
    %mul3A_12 = vector.broadcast %get3A_11 : vector<1x2048xf32> to vector<1024x2048xf32>
    %mul3A_13 = arith.mulf %mul3A_8, %mul3A_12 : vector<1024x2048xf32>
    %convert_element_type3A = arith.truncf %mul3A_13 : vector<1024x2048xf32> to vector<1024x2048xbf16>
    %get3A_14 = arith.constant 0 : index
    %get3A_15 = arith.constant 0 : index
    %get3A_16 = vector.load %arg4[%get3A_14, %get3A_15] : memref<2048x512xf32, #tpu.memory_space<vmem>>, vector<2048x512xf32>
    %convert_element_type3A_17 = arith.truncf %get3A_16 : vector<2048x512xf32> to vector<2048x512xbf16>
    %dot_general3A = arith.constant dense<0.000000e+00> : vector<1024x512xf32>
    %dot_general3A_18 = tpu.matmul %convert_element_type3A, %convert_element_type3A_17, %dot_general3A {dimension_numbers = #tpu.dot_dimension_numbers<[1], [0], [0], [1], [0, 0, 1, 1], [], []>, transpose_lhs_hint = false} : vector<1024x2048xbf16>, vector<2048x512xbf16>, vector<1024x512xf32> -> vector<1024x512xf32>
    %get3A_19 = arith.constant 0 : index
    %get3A_20 = arith.constant 0 : index
    %get3A_21 = vector.load %arg5[%get3A_19, %get3A_20] : memref<2048x512xf32, #tpu.memory_space<vmem>>, vector<2048x512xf32>
    %convert_element_type3A_22 = arith.truncf %get3A_21 : vector<2048x512xf32> to vector<2048x512xbf16>
    %dot_general3A_23 = arith.constant dense<0.000000e+00> : vector<1024x512xf32>
    %dot_general3A_24 = tpu.matmul %convert_element_type3A, %convert_element_type3A_22, %dot_general3A_23 {dimension_numbers = #tpu.dot_dimension_numbers<[1], [0], [0], [1], [0, 0, 1, 1], [], []>, transpose_lhs_hint = false} : vector<1024x2048xbf16>, vector<2048x512xbf16>, vector<1024x512xf32> -> vector<1024x512xf32>
    %logistic3A = arith.negf %dot_general3A_18 : vector<1024x512xf32>
    %logistic3A_25 = math.exp %logistic3A : vector<1024x512xf32>
    %logistic3A_26 = arith.constant 1.000000e+00 : f32
    %logistic3A_27 = vector.broadcast %logistic3A_26 : f32 to vector<1024x512xf32>
    %logistic3A_28 = arith.addf %logistic3A_27, %logistic3A_25 : vector<1024x512xf32>
    %logistic3A_29 = arith.divf %logistic3A_27, %logistic3A_28 : vector<1024x512xf32>
    %mul3A_30 = arith.mulf %dot_general3A_18, %logistic3A_29 : vector<1024x512xf32>
    %mul3A_31 = arith.mulf %mul3A_30, %dot_general3A_24 : vector<1024x512xf32>
    %convert_element_type3A_32 = arith.truncf %mul3A_31 : vector<1024x512xf32> to vector<1024x512xbf16>
    %swap3A = arith.constant 0 : index
    %swap3A_33 = arith.constant 0 : index
    %swap3A_34 = vector.load %arg6[%swap3A, %swap3A_33] : memref<1024x512xbf16, #tpu.memory_space<vmem>>, vector<1024x512xbf16>
    tpu.vector_store %arg6[%swap3A, %swap3A_33], %convert_element_type3A_32 {strides = array<i32>} : memref<1024x512xbf16, #tpu.memory_space<vmem>>, vector<1024x512xbf16>,
    return
  }
  func.func @transform_0(%arg0: i32, %arg1: i32) -> (i32, i32) {
    %c0_i32 = arith.constant 0 : i32
    %c0_i32_0 = arith.constant 0 : i32
    return %arg0, %c0_i32 : i32, i32
  }
  func.func @transform_1(%arg0: i32, %arg1: i32) -> (i32, i32) {
    %c0_i32 = arith.constant 0 : i32
    %c0_i32_0 = arith.constant 0 : i32
    %c0_i32_1 = arith.constant 0 : i32
    return %c0_i32, %c0_i32_0 : i32, i32
  }
  func.func @transform_2(%arg0: i32, %arg1: i32) -> (i32, i32) {
    %c0_i32 = arith.constant 0 : i32
    %c0_i32_0 = arith.constant 0 : i32
    return %c0_i32, %arg1 : i32, i32
  }
  func.func @transform_3(%arg0: i32, %arg1: i32) -> (i32, i32) {
    %c0_i32 = arith.constant 0 : i32
    %c0_i32_0 = arith.constant 0 : i32
    return %c0_i32, %arg1 : i32, i32
  }
  func.func @transform_4(%arg0: i32, %arg1: i32) -> (i32, i32) {
    %c0_i32 = arith.constant 0 : i32
    return %arg0, %arg1 : i32, i32
  }
}

module attributes {stable_mosaic.version = 14 : i64} {
  func.func @body(%arg0: i32, %arg1: memref<1024x5504xbf16, #tpu.memory_space<vmem>>, %arg2: memref<5504x256xf32, #tpu.memory_space<vmem>>, %arg3: memref<1024x256xf32, #tpu.memory_space<vmem>>, %arg4: memref<1024x256xf32, #tpu.memory_space<vmem>>) attributes {dimension_semantics = [#tpu.dimension_semantics<arbitrary>], iteration_bounds = array<i64: 8>, scalar_prefetch = 0 : i64, scratch_operands = 0 : i64, tpu.core_type = #tpu.core_type<tc>, window_params = [{pipeline_mode = #tpu.pipeline_mode<synchronous>, transform_indices = @transform_0, window_bounds = array<i64: 1024, 5504>}, {transform_indices = @transform_1, window_bounds = array<i64: 5504, 256>}, {transform_indices = @transform_2, window_bounds = array<i64: 1024, 256>}, {transform_indices = @transform_3, window_bounds = array<i64: 1024, 256>}]} {
    %get3A = arith.constant 0 : index
    %get3A_0 = arith.constant 0 : index
    %get3A_1 = vector.load %arg1[%get3A, %get3A_0] : memref<1024x5504xbf16, #tpu.memory_space<vmem>>, vector<1024x5504xbf16>
    %get3A_2 = arith.constant 0 : index
    %get3A_3 = arith.constant 0 : index
    %get3A_4 = vector.load %arg2[%get3A_2, %get3A_3] : memref<5504x256xf32, #tpu.memory_space<vmem>>, vector<5504x256xf32>
    %convert_element_type3A = arith.truncf %get3A_4 : vector<5504x256xf32> to vector<5504x256xbf16>
    %dot_general3A = arith.constant dense<0.000000e+00> : vector<1024x256xf32>
    %dot_general3A_5 = tpu.matmul %get3A_1, %convert_element_type3A, %dot_general3A {dimension_numbers = #tpu.dot_dimension_numbers<[1], [0], [0], [1], [0, 0, 1, 1], [], []>, transpose_lhs_hint = false} : vector<1024x5504xbf16>, vector<5504x256xbf16>, vector<1024x256xf32> -> vector<1024x256xf32>
    %get3A_6 = arith.constant 0 : index
    %get3A_7 = arith.constant 0 : index
    %get3A_8 = vector.load %arg3[%get3A_6, %get3A_7] : memref<1024x256xf32, #tpu.memory_space<vmem>>, vector<1024x256xf32>
    %add3A = arith.addf %dot_general3A_5, %get3A_8 : vector<1024x256xf32>
    %swap3A = arith.constant 0 : index
    %swap3A_9 = arith.constant 0 : index
    %swap3A_10 = vector.load %arg4[%swap3A, %swap3A_9] : memref<1024x256xf32, #tpu.memory_space<vmem>>, vector<1024x256xf32>
    tpu.vector_store %arg4[%swap3A, %swap3A_9], %add3A {strides = array<i32>} : memref<1024x256xf32, #tpu.memory_space<vmem>>, vector<1024x256xf32>,
    return
  }
  func.func @transform_0(%arg0: i32) -> (i32, i32) {
    %c0_i32 = arith.constant 0 : i32
    %c0_i32_0 = arith.constant 0 : i32
    %c0_i32_1 = arith.constant 0 : i32
    return %c0_i32, %c0_i32_0 : i32, i32
  }
  func.func @transform_1(%arg0: i32) -> (i32, i32) {
    %c0_i32 = arith.constant 0 : i32
    %c0_i32_0 = arith.constant 0 : i32
    return %c0_i32, %arg0 : i32, i32
  }
  func.func @transform_2(%arg0: i32) -> (i32, i32) {
    %c0_i32 = arith.constant 0 : i32
    %c0_i32_0 = arith.constant 0 : i32
    return %c0_i32, %arg0 : i32, i32
  }
  func.func @transform_3(%arg0: i32) -> (i32, i32) {
    %c0_i32 = arith.constant 0 : i32
    %c0_i32_0 = arith.constant 0 : i32
    return %c0_i32, %arg0 : i32, i32
  }
}

</mosaic_0001>

<sc_bundles>
// kernel: kernel.12.cloned.1.call-start
scs
__scs_entry_jumppad:
0x0: {  	(pc) =	sbr.rel $0x88, $3  }
0x1: {  	(tag) =	ssettag $0x0;
	lr =	simm.s32 $0x1  }
0x2: {  	[smem:$0x3F91] =	sst lr;
	_ =	strace $0xD0000000  }
0x3: {  	_ = 	snop  }
0x4: {  	_ = 	snop  }
0x5: {  	_ = 	snop  }
0x6: {  	_ = 	snop  }
0x7: {  	_ = 	snop  }
__scs_overlays_trampoline_lowered:
0x8: {  	[smem:$0x3FA0] =	sst s0  }
0x9: {  	[smem:$0x3FA1] =	sst s1  }
0xa: {  	[smem:$0x3FA2] =	sst s2  }
0xb: {  	[smem:$0x3FA3] =	sst s3  }
0xc: {  	[smem:$0x3FA4] =	sst s4  }
0xd: {  	[smem:$0x3FA5] =	sst s5  }
0xe: {  	[smem:$0x3FA6] =	sst s6  }
0xf: {  	[smem:$0x3FA7] =	sst s7  }
0x10: {  	[smem:$0x3FA8] =	sst s8  }
0x11: {  	[smem:$0x3FA9] =	sst s9;
	s0 =	simm.s32 @!p0 $0x0  }
0x12: {  	s1 =	sld [smem:$0x3F8F];
	s0 =	simm.s32 @p0 $0x1  }
0x13: {  	[smem:$0x3FAA] =	sst s0;
	s0 =	simm.s32 @!p1 $0x0  }
0x14: {  	s2 =	sld [smem:$0x3F8E];
	s0 =	simm.s32 @p1 $0x1  }
0x15: {  	[smem:$0x3FAB] =	sst s0;
	s0 =	simm.s32 @!p2 $0x0  }
0x16: {  	s3 =	sld [smem:$0x3FDB];
	s0 =	simm.s32 @p2 $0x1  }
0x17: {  	s4 =	simm.s32 $0x1BF5;
	[smem:$0x3FAD] =	sst s0  }
0x18: {  	s0 =	sld [smem:$0x3F90];
	_ =	swait.ge [sflag:s4], $0x0  }
0x19: {  	s7 =	sld [smem:$0x3F91]  }
0x1a: {  	s8 =	sadd.s32 $0xFFFFE003, lr  }
0x1b: {  	s9 =	sadd.s32 $0xFFFFFEF7, lr;
	s5 =	simm.s32 $0xFFFFFFFF;
	p2 =	slt.u32 s8, $0xFFFFF086  }
0x1c: {  	p1 =	slt.u32 s9, $0xF7A;
	s5 =	simm.s32 @!p2 $0x0  }
0x1d: {  	s5 =	simm.s32 @p1 $0x1;
	p0 =	seq.s32 s7, s2  }
0x1e: {  	s7 =	smul.u32 @!p0 $0xF7A, s2;
	p2 =	seq.s32 @!p0 s5, $0x0  }
0x1f: {  	s9 =	smul.u32 $0xF7A, s1;
	s8 =	simm.s32 @!p0 $0x1BF5;
	p2 =	por !p2, p0  }
0x20: {  	[sflag:s8] =	ssyncset.s32 @!p0 $0xFFFFF086;
	s6 =	sadd.s32 @!p0 s3, s7;
	s7 =	simm.s32 @!p0 $0x108  }
0x21: {  	s3 =	sadd.s32 s3, s9;
	s6 =	sadd.s32 @!p0 $0x88, s6;
	s7 =	simm.s32 @p2 $0x1082  }
0x22: {  	[simem:s7], [sflag:s8] =	dma.local @!p0 [hbm:s6], $0xF7A  }
0x23: {  	s9 =	sor.u32 $0xD0000000, s2;
	s6 =	simm.s32 $0x108;
	_ =	swait.ge @!p0 [sflag:s8], $0x0  }
0x24: {  	s3 =	sadd.s32 $0x88, s3;
	s6 =	simm.s32 @!p1 $0x1082;
	[sflag:s4] =	ssyncset.s32 $0xFFFFF086  }
0x25: {  	[simem:s6], [sflag:s4] =	dma.local [hbm:s3], $0xF7A  }
0x26: {  	[smem:$0x3F91] =	sst s1;
	(tag) =	ssettag s2;
	_ =	strace s9  }
0x27: {  	s1 =	sld [smem:$0x3FA1]  }
0x28: {  	s2 =	sld [smem:$0x3FA2]  }
0x29: {  	s4 =	sld [smem:$0x3FA4]  }
0x2a: {  	p0 =	seq.s32 s5, $0x0;
	s5 =	sld [smem:$0x3FA5]  }
0x2b: {  	s6 =	sld [smem:$0x3FA6]  }
0x2c: {  	s7 =	sld [smem:$0x3FA7]  }
0x2d: {  	s3 =	simm.s32 $0x108;
	s8 =	sld [smem:$0x3FA8]  }
0x2e: {  	s3 =	simm.s32 @!p0 $0x1082;
	s9 =	sld [smem:$0x3FA9]  }
0x2f: {  	lr =	sadd.s32 s0, s3;
	s0 =	sld [smem:$0x3FA0]  }
0x30: {  	s3 =	sld [smem:$0x3FA3]  }
0x31: {  	[smem:$0x3FAC] =	sst s10  }
0x32: {  	s10 =	sld [smem:$0x3FAA];
	_ =	sdelay $0x3  }
0x33: {  	p0 =	seq.s32 s10, $0x1;
	s10 =	sld [smem:$0x3FAC];
	_ =	sdelay $0x3  }
0x34: {  	[smem:$0x3FAC] =	sst s10  }
0x35: {  	s10 =	sld [smem:$0x3FAB];
	_ =	sdelay $0x3  }
0x36: {  	p1 =	seq.s32 s10, $0x1;
	s10 =	sld [smem:$0x3FAC];
	_ =	sdelay $0x3  }
0x37: {  	[smem:$0x3FAC] =	sst s10  }
0x38: {  	s10 =	sld [smem:$0x3FAD]  }
0x39: {  	_ = 	snop;
	(pc) =	sbr.ind lr, $3  }
0x3a: {  	_ = 	snop  }
0x3b: {  	_ = 	snop  }
0x3c: {  	p2 =	seq.s32 s10, $0x1;
	s10 =	sld [smem:$0x3FAC]  }
0x3d: {  	_ =	shalt  }
0x3e: {  	_ =	shalt  }
0x3f: {  	_ =	shalt  }
0x40: {  	_ =	shalt  }
0x41: {  	_ =	shalt  }
0x42: {  	_ =	shalt  }
0x43: {  	_ =	shalt  }
0x44: {  	_ =	shalt  }
0x45: {  	_ =	shalt  }
0x46: {  	_ =	shalt  }
0x47: {  	_ =	shalt  }
0x48: {  	_ =	shalt  }
0x49: {  	_ =	shalt  }
0x4a: {  	_ =	shalt  }
0x4b: {  	_ =	shalt  }
0x4c: {  	_ =	shalt  }
0x4d: {  	_ =	shalt  }
0x4e: {  	_ =	shalt  }
0x4f: {  	_ =	shalt  }
0x50: {  	_ =	shalt  }
0x51: {  	_ =	shalt  }
0x52: {  	_ =	shalt  }
0x53: {  	_ =	shalt  }
0x54: {  	_ =	shalt  }
0x55: {  	_ =	shalt  }
0x56: {  	_ =	shalt  }
0x57: {  	_ =	shalt  }
0x58: {  	_ =	shalt  }
0x59: {  	_ =	shalt  }
0x5a: {  	_ =	shalt  }
0x5b: {  	_ =	shalt  }
0x5c: {  	_ =	shalt  }
0x5d: {  	_ =	shalt  }
0x5e: {  	_ =	shalt  }
0x5f: {  	_ =	shalt  }
0x60: {  	_ =	shalt  }
0x61: {  	_ =	shalt  }
0x62: {  	_ =	shalt  }
0x63: {  	_ =	shalt  }
0x64: {  	_ =	shalt  }
0x65: {  	_ =	shalt  }
0x66: {  	_ =	shalt  }
0x67: {  	_ =	shalt  }
0x68: {  	_ =	shalt  }
0x69: {  	_ =	shalt  }
0x6a: {  	_ =	shalt  }
0x6b: {  	_ =	shalt  }
0x6c: {  	_ =	shalt  }
0x6d: {  	_ =	shalt  }
0x6e: {  	_ =	shalt  }
0x6f: {  	_ =	shalt  }
0x70: {  	_ =	shalt  }
0x71: {  	_ =	shalt  }
0x72: {  	_ =	shalt  }
0x73: {  	_ =	shalt  }
0x74: {  	_ =	shalt  }
0x75: {  	_ =	shalt  }
0x76: {  	_ =	shalt  }
0x77: {  	_ =	shalt  }
0x78: {  	_ =	shalt  }
0x79: {  	_ =	shalt  }
0x7a: {  	_ =	shalt  }
0x7b: {  	_ =	shalt  }
0x7c: {  	_ =	shalt  }
0x7d: {  	_ =	shalt  }
0x7e: {  	_ =	shalt  }
0x7f: {  	_ =	shalt  }
0x80: {  	_ =	shalt  }
0x81: {  	_ =	shalt  }
0x82: {  	_ =	shalt  }
0x83: {  	_ =	shalt  }
0x84: {  	_ =	shalt  }
0x85: {  	_ =	shalt  }
0x86: {  	_ =	shalt  }
0x87: {  	_ =	shalt  }
.Lfunc_end0:
.L_simem_size_0:
called_computation.1_lowered:
.L_overlay_start_0:
0x88: {  	s2 =	sld [smem:$0x3FD9]  }
0x89: {  	s3 =	sld [smem:$0x3FFE];
	_ =	sdelay $0x1  }
0x8a: {  	s1 =	srdreg.scid  }
0x8b: {  	s0 =	sand.u32 $0x1, s1  }
0x8c: {  	s17 =	sshll.u32 s0, $0xA;
	s2 =	sadd.s32 s3, s2  }
0x8d: {  	s2 =	sadd.s32 s2, s17  }
0x8e: {  	[smem:$0x3FB8] =	sst s2  }
0x8f: {  	_ = 	snop  }
0x90: {  	s2 =	sld [smem:$0x3FC9]  }
0x91: {  	s18 =	sld [smem:$0x3FD0];
	(tm) =	ssettm $0x1  }
0x92: {  	s4 =	sld [smem:$0x3FFB];
	_ =	sdelay $0x3  }
0x93: {  	_ =	strace s4  }
0x94: {  	s4 =	sld [smem:$0x3FFC];
	_ =	sdelay $0x3  }
0x95: {  	_ =	strace s4  }
0x96: {  	s4 =	sld [smem:$0x3FFD];
	_ =	sdelay $0x3  }
0x97: {  	_ =	strace s4  }
0x98: {  	_ =	strace $0x8FFFFFFF  }
0x99: {  	s19 =	sld [smem:$0x3FDB];
	_ =	sdelay $0x1  }
0x9a: {  	s5 =	simm.s32 $_scs_section_size  }
0x9b: {  	s6 =	simm.s32 $_size__tile_overlayer_lowered;
	s7 =	simm.s32 $_tile_overlayer_lowered  }
0x9c: {  	s22 =	simm.s32 $0x1BFF;
	s21 =	sshll.u32 s7, $0x1;
	s4 =	sadd.s32 s5, s19  }
0x9d: {  	s8 =	simm.s32 $0x0;
	s20 =	sshll.u32 s6, $0x1;
	s6 =	sadd.s32 s21, s4  }
0x9e: {  	[timem:s8], [sflag:s22] =	dma.local [hbm:s6], s20  }
0x9f: {  	_ =	swait.ge [sflag:s22], s20  }
0xa0: {  	s5 =	ssub.s32 $0x0, s20;
	[sflag:s22] =	ssyncset.done $0x0  }
0xa1: {  	[sflag:s22] =	ssyncadd.s32 s5;
	_ =	sdelay $0x1  }
0xa2: {  	s23 =	simm.s32 $0x1B8B  }
0xa3: {  	_ =	swait.ge [sflag:s23], $0x1  }
0xa4: {  	[sflag:s23] =	ssyncset.done $0x0  }
0xa5: {  	s25 =	simm.s32 $0x1B8E;
	s24 =	sld [smem:$0x3FFE];
	[sflag:s23] =	ssyncadd.s32 $0xFFFFFFFF  }
0xa6: {  	s26 =	simm.s32 $execute0_lowered;
	[smem:$0x3FD2] =	sst s25  }
0xa7: {  	s6 =	sshll.u32 s26, $0x1;
	_ =	strace $0x80000049;
	[dreg:$0x1] =	wrdreg $0xFFFFFFFF  }
0xa8: {  	s28 =	simm.s32 $_size_execute0_lowered;
	s4 =	sadd.s32 s4, s6;
	[dreg:$0x0] =	wrdreg $0x0  }
0xa9: {  	s6 =	sshll.u32 s28, $0x1;
	[dreg:$0x2] =	wrdreg s4  }
0xaa: {  	[dreg:$0x3] =	wrdreg s6  }
0xab: {  	[dreg:$0x4] =	wrdreg $0xC0  }
0xac: {  	_ =	task [dreg:s8], $0x5FFFF  }
0xad: {  	[dreg:$0x1] =	wrdreg $0xFFFFFFFF  }
0xae: {  	[dreg:$0x0] =	wrdreg $0x60  }
0xaf: {  	[dreg:$0x2] =	wrdreg s2  }
0xb0: {  	[dreg:$0x3] =	wrdreg s24  }
0xb1: {  	[dreg:$0x4] =	wrdreg s18  }
0xb2: {  	[dreg:$0x5] =	wrdreg $0x9  }
0xb3: {  	_ =	task.clear_ibuf [dreg:s8], $0x6FFFF;
	_ =	strace $0x90000049  }
0xb4: {  	s29 =	simm.s32 $0x9;
	_ =	strace $0x8000004B  }
0xb5: {  	_ =	swait.ge [sflag:s29], $0x1  }
0xb6: {  	[sflag:s29] =	ssyncadd.s32 $0xFFFFFFFF  }
0xb7: {  	_ =	strace $0x9000004B  }
0xb8: {  	_ =	sfence  }
0xb9: {  	s30 =	sld [smem:$0x0];
	_ =	sdelay $0x2  }
0xba: {  	s31 =	sshll.u32 s1, $0xD;
	s1 =	sshrl.u32 s1, $0x2  }
0xbb: {  	s3 =	sand.u32 $0x4000, s31;
	s1 =	sadd.s32 s1, s30  }
0xbc: {  	s0 =	sor.u32 s3, s0;
	s1 =	sshll.u32 s1, $0x11  }
0xbd: {  	s0 =	sor.u32 s1, s0  }
0xbe: {  	s0 =	sadd.s32 $0x8F2B, s0  }
0xbf: {  	[sflag:s0] =	ssyncadd.remote.s32 $0x1  }
0xc0: {  	_ =	sfence.sel $0xFFFF  }
0xc1: {  	[dreg:$0x0] =	wrdreg $0xFFFFFFFF;
	(pc) =	sbr.abs _section_cstart, $3  }
0xc2: {  	[dreg:$0x1] =	wrdreg $0xFFFFFFFF  }
0xc3: {  	_ =	task.clear_ibuf [dreg:s8], $0x2FFFF;
	_ =	strace $0x9FFFFFFF  }
0xc4: {  	(tm) =	ssettm $0x7FFFFFFF  }
0xc5: {  	_ =	shalt  }
tec
execute0_lowered:
.L_overlay_start_1:
0x0: {  	(tag) =	ssettag $0x1  }
0x1: {  	s0 =	rddreg [dreg:$0x0];
	s3 =	srdreg.scid  }
0x2: {  	s4 =	rddreg [dreg:$0x1];
	s1 =	stileid.u32;
	s5 =	sand.u32 $0x1, s3  }
0x3: {  	s3 =	simm.s32 $0x0;
	s7 =	sshll.u32 s1, $0x10;
	s6 =	sshll.u32 s5, $0x14  }
0x4: {  	[smem:$0x7FF] =	sst s3;
	s6 =	sor.u32 s7, s6  }
0x5: {  	s2 =	rddreg [dreg:$0x2];
	_ =	strace $0x8000004A;
	s7 =	sadd.s32 s0, s6  }
0x6: {  	s9 =	sadd.s32 s2, s6;
	s8 =	sor.u32 $0x2000, s6;
	[dreg:$0x4] =	wrdreg s7  }
0x7: {  	[dreg:$0x5] =	wrdreg s9;
	s10 =	sadd.s32 s0, s8  }
0x8: {  	s12 =	sor.u32 $0x4000, s6;
	s11 =	sadd.s32 s2, s8;
	[dreg:$0x6] =	wrdreg s10  }
0x9: {  	s13 =	sadd.s32 s0, s12;
	[dreg:$0x7] =	wrdreg s11  }
0xa: {  	s15 =	sor.u32 $0x6000, s6;
	s14 =	sadd.s32 s2, s12;
	[dreg:$0x8] =	wrdreg s13  }
0xb: {  	s16 =	sadd.s32 s0, s15;
	[dreg:$0x9] =	wrdreg s14  }
0xc: {  	s18 =	sor.u32 $0x8000, s6;
	s17 =	sadd.s32 s2, s15;
	[dreg:$0xa] =	wrdreg s16  }
0xd: {  	s19 =	sadd.s32 s0, s18;
	[dreg:$0xb] =	wrdreg s17  }
0xe: {  	s21 =	sor.u32 $0xA000, s6;
	s20 =	sadd.s32 s2, s18;
	[dreg:$0xc] =	wrdreg s19  }
0xf: {  	s22 =	sadd.s32 s0, s21;
	[dreg:$0xd] =	wrdreg s20  }
0x10: {  	s24 =	sor.u32 $0xC000, s6;
	s23 =	sadd.s32 s2, s21;
	[dreg:$0xe] =	wrdreg s22  }
0x11: {  	s25 =	sadd.s32 s0, s24;
	[dreg:$0xf] =	wrdreg s23  }
0x12: {  	s6 =	sor.u32 $0xE000, s6;
	s26 =	sadd.s32 s2, s24;
	[dreg:$0x10] =	wrdreg s25  }
0x13: {  	s0 =	sadd.s32 s0, s6;
	[dreg:$0x11] =	wrdreg s26  }
0x14: {  	s28 =	simm.s32 $0xE080;
	s12 =	simm.s32 $0x880;
	[dreg:$0x12] =	wrdreg s0  }
0x15: {  	s29 =	simm.s32 $0xE880;
	s18 =	simm.s32 $0x3080;
	[dreg:$0x16] =	wrdreg s12  }
0x16: {  	s30 =	simm.s32 $0xF080;
	s21 =	simm.s32 $0x4880;
	[dreg:$0x1b] =	wrdreg s18  }
0x17: {  	s31 =	simm.s32 $0xF880;
	s24 =	simm.s32 $0x6080;
	[dreg:$0x1e] =	wrdreg s21  }
0x18: {  	s9 =	sshll.u32 s5, $0x9;
	s13 =	simm.s32 $0x1080;
	[smem:$0x7FB] =	sst s24  }
0x19: {  	s15 =	ssub.s32 $0x2, s5;
	s14 =	simm.s32 $0x1880;
	[dreg:$0x17] =	wrdreg s13  }
0x1a: {  	s7 =	sadd.s32 $0x400, s2;
	s16 =	simm.s32 $0x2080;
	[dreg:$0x18] =	wrdreg s14  }
0x1b: {  	s10 =	sshll.u32 s1, $0x5;
	s17 =	simm.s32 $0x2880;
	[dreg:$0x19] =	wrdreg s16  }
0x1c: {  	s5 =	sshrl.u32 s15, $0x1;
	s19 =	simm.s32 $0x3880;
	[dreg:$0x1a] =	wrdreg s17  }
0x1d: {  	s20 =	simm.s32 $0x4080;
	s22 =	simm.s32 $0x5080;
	[dreg:$0x1c] =	wrdreg s19  }
0x1e: {  	s23 =	simm.s32 $0x5880;
	s25 =	simm.s32 $0x6880;
	[dreg:$0x1d] =	wrdreg s20  }
0x1f: {  	s26 =	simm.s32 $0x7080;
	s12 =	simm.s32 $0x80;
	[dreg:$0x1f] =	wrdreg s22  }
0x20: {  	s18 =	simm.s32 $0x9880;
	s21 =	simm.s32 $0xB080;
	[smem:$0x7FA] =	sst s23  }
0x21: {  	s24 =	simm.s32 $0xC880;
	s0 =	simm.s32 $0x1;
	[smem:$0x7FC] =	sst s25  }
0x22: {  	s9 =	sor.u32 s10, s9;
	s13 =	simm.s32 $0x2;
	[smem:$0x7FD] =	sst s26  }
0x23: {  	s16 =	simm.s32 $0x8880;
	s17 =	simm.s32 $0x9080;
	s19 =	simm.s32 $0xA080  }
0x24: {  	s20 =	simm.s32 $0xA880;
	s22 =	simm.s32 $0xB880;
	s23 =	simm.s32 $0xC080  }
0x25: {  	s25 =	simm.s32 $0xD080;
	s26 =	simm.s32 $0xD880;
	s10 =	sshll.u32 s9, $0x8  }
0x26: {  	s1 =	sshrl.u32 s9, $0x3;
	s9 =	sadd.s32 s2, s6;
	s6 =	sadd.s32 $0x300, s2  }
0x27: {  	s8 =	sadd.s32 s1, s4;
	s4 =	sadd.s32 s10, s4;
	[dreg:$0x13] =	wrdreg s9  }
0x28: {  	s9 =	sadd.s32 $0x600, s2;
	s10 =	sadd.s32 $0x600, s8;
	s11 =	sadd.s32 $0x800, s4  }
0x29: {  	v2 =	vlaneseq.u32;
	s4 =	sadd.s32 $0x100, s2;
	s8 =	sadd.s32 $0x500, s2;
	[dreg:$0x14] =	wrdreg s10  }
0x2a: {  	vm0 =	vmmov $0xffff;
	v1 =	vshrl.u32 v2, $0x3;
	[dreg:$0x15] =	wrdreg s11;
	s11 =	ssub.s32 s15, s5;
	s5 =	sadd.s32 $0x200, s2  }
0x2b: {  	v0 =	vand.u32 $0x7, v2;
	v2 =	vor.u32 $0x8, v2;
	v1 =	vmul.u32 $0x8, v1;
	s10 =	sadd.s32 $0x700, s2;
	s15 =	simm.s32 $0x8080;
	s11 =	smax.u32 s11, $0x1  }
.LBB2_1:
0x2c: {  	s1 =	rddreg [dreg:$0x4]  }
0x2d: {  	[tilespmem:s12], [sflag:$0x2] =	stream.linear.gather [hbm4b:s1+s3], $0x10000, $0x38;
	[tilespmem:$0x10080] =	vst v63  }
0x2e: {  	_ =	swait.ge [sflag:s13], $0x10000  }
0x2f: {  	[sflag:s13] =	ssyncset.done $0x0  }
0x30: {  	s14 =	rddreg [dreg:$0x5];
	[sflag:s13] =	ssyncadd.s32 $0xFFFF0000  }
0x31: {  	[hbm4b:s14+s3] =	stream.linear.scatter [tilespmem:s12], [sflag:$0x2], $0x10000, $0x38;
	[tilespmem:$0x10080] =	vst v63  }
0x32: {  	_ =	swait.ge [sflag:s13], $0x10000  }
0x33: {  	[sflag:s13] =	ssyncset.done $0x0  }
0x34: {  	s14 =	rddreg [dreg:$0x6];
	[sflag:s13] =	ssyncadd.s32 $0xFFFF0000  }
0x35: {  	[tilespmem:s12], [sflag:$0x2] =	stream.linear.gather [hbm4b:s14+s3], $0x10000, $0x38;
	[tilespmem:$0x10080] =	vst v63  }
0x36: {  	_ =	swait.ge [sflag:s13], $0x10000  }
0x37: {  	[sflag:s13] =	ssyncset.done $0x0  }
0x38: {  	s14 =	rddreg [dreg:$0x7];
	[sflag:s13] =	ssyncadd.s32 $0xFFFF0000  }
0x39: {  	[hbm4b:s14+s3] =	stream.linear.scatter [tilespmem:s12], [sflag:$0x2], $0x10000, $0x38;
	[tilespmem:$0x10080] =	vst v63  }
0x3a: {  	_ =	swait.ge [sflag:s13], $0x10000  }
0x3b: {  	[sflag:s13] =	ssyncset.done $0x0  }
0x3c: {  	s14 =	rddreg [dreg:$0x8];
	[sflag:s13] =	ssyncadd.s32 $0xFFFF0000  }
0x3d: {  	[tilespmem:s12], [sflag:$0x2] =	stream.linear.gather [hbm4b:s14+s3], $0x10000, $0x38;
	[tilespmem:$0x10080] =	vst v63  }
0x3e: {  	_ =	swait.ge [sflag:s13], $0x10000  }
0x3f: {  	[sflag:s13] =	ssyncset.done $0x0  }
0x40: {  	s14 =	rddreg [dreg:$0x9];
	[sflag:s13] =	ssyncadd.s32 $0xFFFF0000  }
0x41: {  	[hbm4b:s14+s3] =	stream.linear.scatter [tilespmem:s12], [sflag:$0x2], $0x10000, $0x38;
	[tilespmem:$0x10080] =	vst v63  }
0x42: {  	_ =	swait.ge [sflag:s13], $0x10000  }
0x43: {  	[sflag:s13] =	ssyncset.done $0x0  }
0x44: {  	s14 =	rddreg [dreg:$0xa];
	[sflag:s13] =	ssyncadd.s32 $0xFFFF0000  }
0x45: {  	[tilespmem:s12], [sflag:$0x2] =	stream.linear.gather [hbm4b:s14+s3], $0x10000, $0x38;
	[tilespmem:$0x10080] =	vst v63  }
0x46: {  	_ =	swait.ge [sflag:s13], $0x10000  }
0x47: {  	[sflag:s13] =	ssyncset.done $0x0  }
0x48: {  	s14 =	rddreg [dreg:$0xb];
	[sflag:s13] =	ssyncadd.s32 $0xFFFF0000  }
0x49: {  	[hbm4b:s14+s3] =	stream.linear.scatter [tilespmem:s12], [sflag:$0x2], $0x10000, $0x38;
	[tilespmem:$0x10080] =	vst v63  }
0x4a: {  	_ =	swait.ge [sflag:s13], $0x10000  }
0x4b: {  	[sflag:s13] =	ssyncset.done $0x0  }
0x4c: {  	s14 =	rddreg [dreg:$0xc];
	[sflag:s13] =	ssyncadd.s32 $0xFFFF0000  }
0x4d: {  	[tilespmem:s12], [sflag:$0x2] =	stream.linear.gather [hbm4b:s14+s3], $0x10000, $0x38;
	[tilespmem:$0x10080] =	vst v63  }
0x4e: {  	_ =	swait.ge [sflag:s13], $0x10000  }
0x4f: {  	[sflag:s13] =	ssyncset.done $0x0  }
0x50: {  	s14 =	rddreg [dreg:$0xd];
	[sflag:s13] =	ssyncadd.s32 $0xFFFF0000  }
0x51: {  	[hbm4b:s14+s3] =	stream.linear.scatter [tilespmem:s12], [sflag:$0x2], $0x10000, $0x38;
	[tilespmem:$0x10080] =	vst v63  }
0x52: {  	_ =	swait.ge [sflag:s13], $0x10000  }
0x53: {  	[sflag:s13] =	ssyncset.done $0x0  }
0x54: {  	s14 =	rddreg [dreg:$0xe];
	[sflag:s13] =	ssyncadd.s32 $0xFFFF0000  }
0x55: {  	[tilespmem:s12], [sflag:$0x2] =	stream.linear.gather [hbm4b:s14+s3], $0x10000, $0x38;
	[tilespmem:$0x10080] =	vst v63  }
0x56: {  	_ =	swait.ge [sflag:s13], $0x10000  }
0x57: {  	[sflag:s13] =	ssyncset.done $0x0  }
0x58: {  	s14 =	rddreg [dreg:$0xf];
	[sflag:s13] =	ssyncadd.s32 $0xFFFF0000  }
0x59: {  	[hbm4b:s14+s3] =	stream.linear.scatter [tilespmem:s12], [sflag:$0x2], $0x10000, $0x38;
	[tilespmem:$0x10080] =	vst v63  }
0x5a: {  	_ =	swait.ge [sflag:s13], $0x10000  }
0x5b: {  	[sflag:s13] =	ssyncset.done $0x0  }
0x5c: {  	s14 =	rddreg [dreg:$0x10];
	[sflag:s13] =	ssyncadd.s32 $0xFFFF0000  }
0x5d: {  	[tilespmem:s12], [sflag:$0x2] =	stream.linear.gather [hbm4b:s14+s3], $0x10000, $0x38;
	[tilespmem:$0x10080] =	vst v63  }
0x5e: {  	_ =	swait.ge [sflag:s13], $0x10000  }
0x5f: {  	[sflag:s13] =	ssyncset.done $0x0  }
0x60: {  	s14 =	rddreg [dreg:$0x11];
	[sflag:s13] =	ssyncadd.s32 $0xFFFF0000  }
0x61: {  	[hbm4b:s14+s3] =	stream.linear.scatter [tilespmem:s12], [sflag:$0x2], $0x10000, $0x38;
	[tilespmem:$0x10080] =	vst v63  }
0x62: {  	_ =	swait.ge [sflag:s13], $0x10000  }
0x63: {  	[sflag:s13] =	ssyncset.done $0x0  }
0x64: {  	s14 =	rddreg [dreg:$0x12];
	[sflag:s13] =	ssyncadd.s32 $0xFFFF0000  }
0x65: {  	[tilespmem:s12], [sflag:$0x2] =	stream.linear.gather [hbm4b:s14+s3], $0x10000, $0x38;
	[tilespmem:$0x10080] =	vst v63  }
0x66: {  	_ =	swait.ge [sflag:s13], $0x10000  }
0x67: {  	[sflag:s13] =	ssyncset.done $0x0  }
0x68: {  	s14 =	rddreg [dreg:$0x13];
	[sflag:s13] =	ssyncadd.s32 $0xFFFF0000  }
0x69: {  	[hbm4b:s14+s3] =	stream.linear.scatter [tilespmem:s12], [sflag:$0x2], $0x10000, $0x38;
	[tilespmem:$0x10080] =	vst v63  }
0x6a: {  	_ =	swait.ge [sflag:s13], $0x10000  }
0x6b: {  	[sflag:s13] =	ssyncset.done $0x0  }
0x6c: {  	[sflag:s13] =	ssyncadd.s32 $0xFFFF0000  }
0x6d: {  	[bflag:$0x0] =	sbarrier.arrive $0xFFFF  }
0x6e: {  	s14 =	rddreg [dreg:$0x14]  }
0x6f: {  	[tilespmem:s3], [sflag:$0x2] =	stream.linear.gather [hbm4b:s14+s3], $0x20, $0x38;
	[tilespmem:$0x10080] =	vst v63  }
0x70: {  	_ =	swait.ge [sflag:s13], $0x20  }
0x71: {  	[sflag:s13] =	ssyncset.done $0x0  }
0x72: {  	s14 =	rddreg [dreg:$0x15];
	[sflag:s13] =	ssyncadd.s32 $0xFFFFFFE0  }
0x73: {  	[tilespmem:s12], [sflag:$0x2] =	stream.linear.gather [hbm4b:s14+s3], $0x10000, $0x38;
	[tilespmem:$0x10080] =	vst v63  }
0x74: {  	_ =	swait.ge [sflag:s13], $0x10000  }
0x75: {  	[sflag:s13] =	ssyncset.done $0x0  }
0x76: {  	[sflag:s13] =	ssyncadd.s32 $0xFFFF0000  }
0x77: {  	v3 =	vld [tilespmem:$0x0];
	_ =	sdelay $0x4  }
0x78: {  	v4 =	vshll.u32 v3, $0x4  }
0x79: {  	v3 =	vand.u32 $0x7, v3;
	v4 =	vand.u32 $0xFFFFFF80, v4  }
0x7a: {  	v3 =	vor.u32 v3, v4  }
0x7b: {  	v4 =	vperm.xlane v3, v0;
	_ =	sdelay $0x1  }
0x7c: {  	v4 =	vadd.s32 v1, v4;
	_ =	sdelay $0x3  }
0x7d: {  	s1 =	rddreg [dreg:$0x16]  }
0x7e: {  	[hbm4b:s2+s3] =	stream.indirect_vreg.scatter [tilespmem:s12], [sflag:$0x1], $0x80, v4, vm0, $0xb8;
	[tilespmem:$0x10080] =	vst v63  }
0x7f: {  	s14 =	rddreg [dreg:$0x17]  }
0x80: {  	[hbm4b:s4+s3] =	stream.indirect_vreg.scatter [tilespmem:s1], [sflag:$0x1], $0x80, v4, vm0, $0xb8;
	[tilespmem:$0x10080] =	vst v63  }
0x81: {  	s1 =	rddreg [dreg:$0x18]  }
0x82: {  	[hbm4b:s5+s3] =	stream.indirect_vreg.scatter [tilespmem:s14], [sflag:$0x1], $0x80, v4, vm0, $0xb8;
	[tilespmem:$0x10080] =	vst v63  }
0x83: {  	s14 =	rddreg [dreg:$0x19]  }
0x84: {  	[hbm4b:s6+s3] =	stream.indirect_vreg.scatter [tilespmem:s1], [sflag:$0x1], $0x80, v4, vm0, $0xb8;
	[tilespmem:$0x10080] =	vst v63  }
0x85: {  	s1 =	rddreg [dreg:$0x1a]  }
0x86: {  	[hbm4b:s7+s3] =	stream.indirect_vreg.scatter [tilespmem:s14], [sflag:$0x1], $0x80, v4, vm0, $0xb8;
	[tilespmem:$0x10080] =	vst v63  }
0x87: {  	v3 =	vperm.xlane v3, v2;
	s14 =	rddreg [dreg:$0x1b]  }
0x88: {  	[hbm4b:s8+s3] =	stream.indirect_vreg.scatter [tilespmem:s1], [sflag:$0x1], $0x80, v4, vm0, $0xb8;
	[tilespmem:$0x10080] =	vst v63  }
0x89: {  	v3 =	vadd.s32 v1, v3;
	s1 =	rddreg [dreg:$0x1c]  }
0x8a: {  	[hbm4b:s9+s3] =	stream.indirect_vreg.scatter [tilespmem:s14], [sflag:$0x1], $0x80, v4, vm0, $0xb8;
	[tilespmem:$0x10080] =	vst v63  }
0x8b: {  	s14 =	rddreg [dreg:$0x1d]  }
0x8c: {  	[hbm4b:s10+s3] =	stream.indirect_vreg.scatter [tilespmem:s1], [sflag:$0x1], $0x80, v4, vm0, $0xb8;
	[tilespmem:$0x10080] =	vst v63  }
0x8d: {  	s1 =	rddreg [dreg:$0x1e]  }
0x8e: {  	[hbm4b:s2+s3] =	stream.indirect_vreg.scatter [tilespmem:s14], [sflag:$0x1], $0x80, v3, vm0, $0xb8;
	[tilespmem:$0x10080] =	vst v63  }
0x8f: {  	s14 =	rddreg [dreg:$0x1f]  }
0x90: {  	[hbm4b:s4+s3] =	stream.indirect_vreg.scatter [tilespmem:s1], [sflag:$0x1], $0x80, v3, vm0, $0xb8;
	[tilespmem:$0x10080] =	vst v63  }
0x91: {  	s1 =	sld [smem:$0x7FA]  }
0x92: {  	[hbm4b:s5+s3] =	stream.indirect_vreg.scatter [tilespmem:s14], [sflag:$0x1], $0x80, v3, vm0, $0xb8;
	[tilespmem:$0x10080] =	vst v63  }
0x93: {  	s14 =	sld [smem:$0x7FB]  }
0x94: {  	[hbm4b:s6+s3] =	stream.indirect_vreg.scatter [tilespmem:s1], [sflag:$0x1], $0x80, v3, vm0, $0xb8;
	[tilespmem:$0x10080] =	vst v63  }
0x95: {  	s1 =	sld [smem:$0x7FC]  }
0x96: {  	[hbm4b:s7+s3] =	stream.indirect_vreg.scatter [tilespmem:s14], [sflag:$0x1], $0x80, v3, vm0, $0xb8;
	[tilespmem:$0x10080] =	vst v63  }
0x97: {  	s14 =	sld [smem:$0x7FD]  }
0x98: {  	[hbm4b:s8+s3] =	stream.indirect_vreg.scatter [tilespmem:s1], [sflag:$0x1], $0x80, v3, vm0, $0xb8;
	[tilespmem:$0x10080] =	vst v63  }
0x99: {  	_ = 	snop  }
0x9a: {  	[hbm4b:s9+s3] =	stream.indirect_vreg.scatter [tilespmem:s14], [sflag:$0x1], $0x80, v3, vm0, $0xb8;
	[tilespmem:$0x10080] =	vst v63  }
0x9b: {  	s14 =	simm.s32 $0x7880  }
0x9c: {  	[hbm4b:s10+s3] =	stream.indirect_vreg.scatter [tilespmem:s14], [sflag:$0x1], $0x80, v3, vm0, $0xb8;
	[tilespmem:$0x10080] =	vst v63  }
0x9d: {  	v3 =	vld [tilespmem:$0x10];
	_ =	sdelay $0x4  }
0x9e: {  	v63 =	vshll.u32 v3, $0x4  }
0x9f: {  	v3 =	vand.u32 $0x7, v3;
	v4 =	vand.u32 $0xFFFFFF80, v63  }
0xa0: {  	v3 =	vor.u32 v3, v4  }
0xa1: {  	v4 =	vperm.xlane v3, v0;
	_ =	sdelay $0x1  }
0xa2: {  	v4 =	vadd.s32 v1, v4;
	_ =	sdelay $0x4  }
0xa3: {  	[hbm4b:s2+s3] =	stream.indirect_vreg.scatter [tilespmem:s15], [sflag:$0x1], $0x80, v4, vm0, $0xb8;
	[tilespmem:$0x10080] =	vst v63  }
0xa4: {  	_ = 	snop  }
0xa5: {  	[hbm4b:s4+s3] =	stream.indirect_vreg.scatter [tilespmem:s16], [sflag:$0x1], $0x80, v4, vm0, $0xb8;
	[tilespmem:$0x10080] =	vst v63  }
0xa6: {  	_ = 	snop  }
0xa7: {  	[hbm4b:s5+s3] =	stream.indirect_vreg.scatter [tilespmem:s17], [sflag:$0x1], $0x80, v4, vm0, $0xb8;
	[tilespmem:$0x10080] =	vst v63  }
0xa8: {  	_ = 	snop  }
0xa9: {  	[hbm4b:s6+s3] =	stream.indirect_vreg.scatter [tilespmem:s18], [sflag:$0x1], $0x80, v4, vm0, $0xb8;
	[tilespmem:$0x10080] =	vst v63  }
0xaa: {  	_ = 	snop  }
0xab: {  	[hbm4b:s7+s3] =	stream.indirect_vreg.scatter [tilespmem:s19], [sflag:$0x1], $0x80, v4, vm0, $0xb8;
	[tilespmem:$0x10080] =	vst v63  }
0xac: {  	v3 =	vperm.xlane v3, v2  }
0xad: {  	[hbm4b:s8+s3] =	stream.indirect_vreg.scatter [tilespmem:s20], [sflag:$0x1], $0x80, v4, vm0, $0xb8;
	[tilespmem:$0x10080] =	vst v63  }
0xae: {  	v3 =	vadd.s32 v1, v3  }
0xaf: {  	[hbm4b:s9+s3] =	stream.indirect_vreg.scatter [tilespmem:s21], [sflag:$0x1], $0x80, v4, vm0, $0xb8;
	[tilespmem:$0x10080] =	vst v63  }
0xb0: {  	_ = 	snop  }
0xb1: {  	[hbm4b:s10+s3] =	stream.indirect_vreg.scatter [tilespmem:s22], [sflag:$0x1], $0x80, v4, vm0, $0xb8;
	[tilespmem:$0x10080] =	vst v63  }
0xb2: {  	_ = 	snop  }
0xb3: {  	[hbm4b:s2+s3] =	stream.indirect_vreg.scatter [tilespmem:s23], [sflag:$0x1], $0x80, v3, vm0, $0xb8;
	[tilespmem:$0x10080] =	vst v63  }
0xb4: {  	_ = 	snop  }
0xb5: {  	[hbm4b:s4+s3] =	stream.indirect_vreg.scatter [tilespmem:s24], [sflag:$0x1], $0x80, v3, vm0, $0xb8;
	[tilespmem:$0x10080] =	vst v63  }
0xb6: {  	_ = 	snop  }
0xb7: {  	[hbm4b:s5+s3] =	stream.indirect_vreg.scatter [tilespmem:s25], [sflag:$0x1], $0x80, v3, vm0, $0xb8;
	[tilespmem:$0x10080] =	vst v63  }
0xb8: {  	_ = 	snop  }
0xb9: {  	[hbm4b:s6+s3] =	stream.indirect_vreg.scatter [tilespmem:s26], [sflag:$0x1], $0x80, v3, vm0, $0xb8;
	[tilespmem:$0x10080] =	vst v63  }
0xba: {  	_ = 	snop  }
0xbb: {  	[hbm4b:s7+s3] =	stream.indirect_vreg.scatter [tilespmem:s28], [sflag:$0x1], $0x80, v3, vm0, $0xb8;
	[tilespmem:$0x10080] =	vst v63  }
0xbc: {  	_ = 	snop  }
0xbd: {  	[hbm4b:s8+s3] =	stream.indirect_vreg.scatter [tilespmem:s29], [sflag:$0x1], $0x80, v3, vm0, $0xb8;
	[tilespmem:$0x10080] =	vst v63  }
0xbe: {  	p0 =	sne.s32 s11, $0x1  }
0xbf: {  	[hbm4b:s9+s3] =	stream.indirect_vreg.scatter [tilespmem:s30], [sflag:$0x1], $0x80, v3, vm0, $0xb8;
	[tilespmem:$0x10080] =	vst v63  }
.Ltmp0:
0xc0: {  	_ = 	snop;
	(pc) =	sbr.rel @p0 .LBB2_1-.Ltmp0, $4  }
0xc1: {  	[hbm4b:s10+s3] =	stream.indirect_vreg.scatter [tilespmem:s31], [sflag:$0x1], $0x80, v3, vm0, $0xb8;
	[tilespmem:$0x10080] =	vst v63  }
0xc2: {  	_ =	swait.ge [sflag:s0], $0x10000  }
0xc3: {  	[sflag:s0] =	ssyncset.done $0x0  }
0xc4: {  	s11 =	sadd.s32 $0xFFFFFFFF, s11;
	[sflag:s0] =	ssyncadd.s32 $0xFFFF0000  }
0xc5: {  	_ =	sfence.sel $0x180000  }
0xc6: {  	[bflag:$0x0] =	sbarrier.arrive $0xFFFF  }
0xc7: {  	_ =	strace $0x9000004A  }
0xc8: {  	s0 =	stileid.u32;
	[bflag:$0x2] =	sbarrier.arrive $0xFFFF  }
0xc9: {  	p0 =	sne.s32 s0, $0x0;
	s0 =	rddreg [dreg:$0x3]  }
0xca: {  	s0 =	sadd.s32 @!p0 $0x100000, s0  }
0xcb: {  	[sflag:s0] =	ssyncadd.tile.s32 @!p0 $0x1;
	_ =	shalt  }
.Lfunc_end2:
_tile_overlayer_lowered:
.L_overlay_start_2:
0xcc: {  	(tag) =	ssettag $0x2  }
0xcd: {  	s0 =	rddreg [dreg:$0x0];
	s2 =	stileid.u32  }
0xce: {  	s1 =	rddreg [dreg:$0x1];
	p0 =	sne.s32 s2, $0x0  }
0xcf: {  	s3 =	rddreg [dreg:$0x2];
	[bflag:$0x3] =	sbarrier.arrive $0xFFFF;
	s2 =	simm.s32 @!p0 $0x1C02  }
0xd0: {  	[timem:s3], [sflag:s2] =	dma.local @!p0 [hbm:s0], s1  }
0xd1: {  	s0 =	simm.s32 @!p0 $0x2  }
0xd2: {  	_ =	swait.ge @!p0 [sflag:s0], s1  }
0xd3: {  	s1 =	ssub.s32 @!p0 $0x0, s1;
	[sflag:s0] =	ssyncset.done @!p0 $0x0  }
0xd4: {  	[sflag:s0] =	ssyncadd.s32 @!p0 s1  }
0xd5: {  	[bflag:$0x3] =	sbarrier.arrive $0xFFFF  }
0xd6: {  	_ =	shalt  }

// kernel: kernel.9.cloned.1.call-start
scs
__scs_entry_jumppad:
0x0: {  	(pc) =	sbr.rel $0x88, $3  }
0x1: {  	(tag) =	ssettag $0x0;
	lr =	simm.s32 $0x1  }
0x2: {  	[smem:$0x3F91] =	sst lr;
	_ =	strace $0xD0000000  }
0x3: {  	_ = 	snop  }
0x4: {  	_ = 	snop  }
0x5: {  	_ = 	snop  }
0x6: {  	_ = 	snop  }
0x7: {  	_ = 	snop  }
__scs_overlays_trampoline_lowered:
0x8: {  	[smem:$0x3FA0] =	sst s0  }
0x9: {  	[smem:$0x3FA1] =	sst s1  }
0xa: {  	[smem:$0x3FA2] =	sst s2  }
0xb: {  	[smem:$0x3FA3] =	sst s3  }
0xc: {  	[smem:$0x3FA4] =	sst s4  }
0xd: {  	[smem:$0x3FA5] =	sst s5  }
0xe: {  	[smem:$0x3FA6] =	sst s6  }
0xf: {  	[smem:$0x3FA7] =	sst s7  }
0x10: {  	[smem:$0x3FA8] =	sst s8  }
0x11: {  	[smem:$0x3FA9] =	sst s9;
	s0 =	simm.s32 @!p0 $0x0  }
0x12: {  	s1 =	sld [smem:$0x3F8F];
	s0 =	simm.s32 @p0 $0x1  }
0x13: {  	[smem:$0x3FAA] =	sst s0;
	s0 =	simm.s32 @!p1 $0x0  }
0x14: {  	s2 =	sld [smem:$0x3F8E];
	s0 =	simm.s32 @p1 $0x1  }
0x15: {  	[smem:$0x3FAB] =	sst s0;
	s0 =	simm.s32 @!p2 $0x0  }
0x16: {  	s3 =	sld [smem:$0x3FDB];
	s0 =	simm.s32 @p2 $0x1  }
0x17: {  	s4 =	simm.s32 $0x1BF5;
	[smem:$0x3FAD] =	sst s0  }
0x18: {  	s0 =	sld [smem:$0x3F90];
	_ =	swait.ge [sflag:s4], $0x0  }
0x19: {  	s7 =	sld [smem:$0x3F91]  }
0x1a: {  	s8 =	sadd.s32 $0xFFFFE003, lr  }
0x1b: {  	s9 =	sadd.s32 $0xFFFFFEF7, lr;
	s5 =	simm.s32 $0xFFFFFFFF;
	p2 =	slt.u32 s8, $0xFFFFF086  }
0x1c: {  	p1 =	slt.u32 s9, $0xF7A;
	s5 =	simm.s32 @!p2 $0x0  }
0x1d: {  	s5 =	simm.s32 @p1 $0x1;
	p0 =	seq.s32 s7, s2  }
0x1e: {  	s7 =	smul.u32 @!p0 $0xF7A, s2;
	p2 =	seq.s32 @!p0 s5, $0x0  }
0x1f: {  	s9 =	smul.u32 $0xF7A, s1;
	s8 =	simm.s32 @!p0 $0x1BF5;
	p2 =	por !p2, p0  }
0x20: {  	[sflag:s8] =	ssyncset.s32 @!p0 $0xFFFFF086;
	s6 =	sadd.s32 @!p0 s3, s7;
	s7 =	simm.s32 @!p0 $0x108  }
0x21: {  	s3 =	sadd.s32 s3, s9;
	s6 =	sadd.s32 @!p0 $0x88, s6;
	s7 =	simm.s32 @p2 $0x1082  }
0x22: {  	[simem:s7], [sflag:s8] =	dma.local @!p0 [hbm:s6], $0xF7A  }
0x23: {  	s9 =	sor.u32 $0xD0000000, s2;
	s6 =	simm.s32 $0x108;
	_ =	swait.ge @!p0 [sflag:s8], $0x0  }
0x24: {  	s3 =	sadd.s32 $0x88, s3;
	s6 =	simm.s32 @!p1 $0x1082;
	[sflag:s4] =	ssyncset.s32 $0xFFFFF086  }
0x25: {  	[simem:s6], [sflag:s4] =	dma.local [hbm:s3], $0xF7A  }
0x26: {  	[smem:$0x3F91] =	sst s1;
	(tag) =	ssettag s2;
	_ =	strace s9  }
0x27: {  	s1 =	sld [smem:$0x3FA1]  }
0x28: {  	s2 =	sld [smem:$0x3FA2]  }
0x29: {  	s4 =	sld [smem:$0x3FA4]  }
0x2a: {  	p0 =	seq.s32 s5, $0x0;
	s5 =	sld [smem:$0x3FA5]  }
0x2b: {  	s6 =	sld [smem:$0x3FA6]  }
0x2c: {  	s7 =	sld [smem:$0x3FA7]  }
0x2d: {  	s3 =	simm.s32 $0x108;
	s8 =	sld [smem:$0x3FA8]  }
0x2e: {  	s3 =	simm.s32 @!p0 $0x1082;
	s9 =	sld [smem:$0x3FA9]  }
0x2f: {  	lr =	sadd.s32 s0, s3;
	s0 =	sld [smem:$0x3FA0]  }
0x30: {  	s3 =	sld [smem:$0x3FA3]  }
0x31: {  	[smem:$0x3FAC] =	sst s10  }
0x32: {  	s10 =	sld [smem:$0x3FAA];
	_ =	sdelay $0x3  }
0x33: {  	p0 =	seq.s32 s10, $0x1;
	s10 =	sld [smem:$0x3FAC];
	_ =	sdelay $0x3  }
0x34: {  	[smem:$0x3FAC] =	sst s10  }
0x35: {  	s10 =	sld [smem:$0x3FAB];
	_ =	sdelay $0x3  }
0x36: {  	p1 =	seq.s32 s10, $0x1;
	s10 =	sld [smem:$0x3FAC];
	_ =	sdelay $0x3  }
0x37: {  	[smem:$0x3FAC] =	sst s10  }
0x38: {  	s10 =	sld [smem:$0x3FAD]  }
0x39: {  	_ = 	snop;
	(pc) =	sbr.ind lr, $3  }
0x3a: {  	_ = 	snop  }
0x3b: {  	_ = 	snop  }
0x3c: {  	p2 =	seq.s32 s10, $0x1;
	s10 =	sld [smem:$0x3FAC]  }
0x3d: {  	_ =	shalt  }
0x3e: {  	_ =	shalt  }
0x3f: {  	_ =	shalt  }
0x40: {  	_ =	shalt  }
0x41: {  	_ =	shalt  }
0x42: {  	_ =	shalt  }
0x43: {  	_ =	shalt  }
0x44: {  	_ =	shalt  }
0x45: {  	_ =	shalt  }
0x46: {  	_ =	shalt  }
0x47: {  	_ =	shalt  }
0x48: {  	_ =	shalt  }
0x49: {  	_ =	shalt  }
0x4a: {  	_ =	shalt  }
0x4b: {  	_ =	shalt  }
0x4c: {  	_ =	shalt  }
0x4d: {  	_ =	shalt  }
0x4e: {  	_ =	shalt  }
0x4f: {  	_ =	shalt  }
0x50: {  	_ =	shalt  }
0x51: {  	_ =	shalt  }
0x52: {  	_ =	shalt  }
0x53: {  	_ =	shalt  }
0x54: {  	_ =	shalt  }
0x55: {  	_ =	shalt  }
0x56: {  	_ =	shalt  }
0x57: {  	_ =	shalt  }
0x58: {  	_ =	shalt  }
0x59: {  	_ =	shalt  }
0x5a: {  	_ =	shalt  }
0x5b: {  	_ =	shalt  }
0x5c: {  	_ =	shalt  }
0x5d: {  	_ =	shalt  }
0x5e: {  	_ =	shalt  }
0x5f: {  	_ =	shalt  }
0x60: {  	_ =	shalt  }
0x61: {  	_ =	shalt  }
0x62: {  	_ =	shalt  }
0x63: {  	_ =	shalt  }
0x64: {  	_ =	shalt  }
0x65: {  	_ =	shalt  }
0x66: {  	_ =	shalt  }
0x67: {  	_ =	shalt  }
0x68: {  	_ =	shalt  }
0x69: {  	_ =	shalt  }
0x6a: {  	_ =	shalt  }
0x6b: {  	_ =	shalt  }
0x6c: {  	_ =	shalt  }
0x6d: {  	_ =	shalt  }
0x6e: {  	_ =	shalt  }
0x6f: {  	_ =	shalt  }
0x70: {  	_ =	shalt  }
0x71: {  	_ =	shalt  }
0x72: {  	_ =	shalt  }
0x73: {  	_ =	shalt  }
0x74: {  	_ =	shalt  }
0x75: {  	_ =	shalt  }
0x76: {  	_ =	shalt  }
0x77: {  	_ =	shalt  }
0x78: {  	_ =	shalt  }
0x79: {  	_ =	shalt  }
0x7a: {  	_ =	shalt  }
0x7b: {  	_ =	shalt  }
0x7c: {  	_ =	shalt  }
0x7d: {  	_ =	shalt  }
0x7e: {  	_ =	shalt  }
0x7f: {  	_ =	shalt  }
0x80: {  	_ =	shalt  }
0x81: {  	_ =	shalt  }
0x82: {  	_ =	shalt  }
0x83: {  	_ =	shalt  }
0x84: {  	_ =	shalt  }
0x85: {  	_ =	shalt  }
0x86: {  	_ =	shalt  }
0x87: {  	_ =	shalt  }
.Lfunc_end0:
.L_simem_size_0:
called_computation_lowered:
.L_overlay_start_0:
0x88: {  	s2 =	sld [smem:$0x3FD9]  }
0x89: {  	s3 =	sld [smem:$0x3FFE];
	_ =	sdelay $0x1  }
0x8a: {  	s1 =	srdreg.scid  }
0x8b: {  	s0 =	sand.u32 $0x1, s1  }
0x8c: {  	s17 =	sshll.u32 s0, $0xA;
	s2 =	sadd.s32 s3, s2  }
0x8d: {  	s2 =	sadd.s32 s2, s17  }
0x8e: {  	[smem:$0x3FB8] =	sst s2  }
0x8f: {  	_ = 	snop  }
0x90: {  	s2 =	sld [smem:$0x3FC9]  }
0x91: {  	s18 =	sld [smem:$0x3FD0];
	(tm) =	ssettm $0x1  }
0x92: {  	s4 =	sld [smem:$0x3FFB];
	_ =	sdelay $0x3  }
0x93: {  	_ =	strace s4  }
0x94: {  	s4 =	sld [smem:$0x3FFC];
	_ =	sdelay $0x3  }
0x95: {  	_ =	strace s4  }
0x96: {  	s4 =	sld [smem:$0x3FFD];
	_ =	sdelay $0x3  }
0x97: {  	_ =	strace s4  }
0x98: {  	_ =	strace $0x8FFFFFFF  }
0x99: {  	s19 =	sld [smem:$0x3FDB];
	_ =	sdelay $0x1  }
0x9a: {  	s5 =	simm.s32 $_scs_section_size  }
0x9b: {  	s6 =	simm.s32 $_size__tile_overlayer_lowered;
	s7 =	simm.s32 $_tile_overlayer_lowered  }
0x9c: {  	s22 =	simm.s32 $0x1BFF;
	s21 =	sshll.u32 s7, $0x1;
	s4 =	sadd.s32 s5, s19  }
0x9d: {  	s8 =	simm.s32 $0x0;
	s20 =	sshll.u32 s6, $0x1;
	s6 =	sadd.s32 s21, s4  }
0x9e: {  	[timem:s8], [sflag:s22] =	dma.local [hbm:s6], s20  }
0x9f: {  	_ =	swait.ge [sflag:s22], s20  }
0xa0: {  	s5 =	ssub.s32 $0x0, s20;
	[sflag:s22] =	ssyncset.done $0x0  }
0xa1: {  	[sflag:s22] =	ssyncadd.s32 s5;
	_ =	sdelay $0x1  }
0xa2: {  	s23 =	simm.s32 $0x1B8B  }
0xa3: {  	_ =	swait.ge [sflag:s23], $0x1  }
0xa4: {  	[sflag:s23] =	ssyncset.done $0x0  }
0xa5: {  	s25 =	simm.s32 $0x1B8E;
	s24 =	sld [smem:$0x3FFE];
	[sflag:s23] =	ssyncadd.s32 $0xFFFFFFFF  }
0xa6: {  	s26 =	simm.s32 $execute0_lowered;
	[smem:$0x3FD2] =	sst s25  }
0xa7: {  	s6 =	sshll.u32 s26, $0x1;
	_ =	strace $0x80000046;
	[dreg:$0x1] =	wrdreg $0xFFFFFFFF  }
0xa8: {  	s28 =	simm.s32 $_size_execute0_lowered;
	s4 =	sadd.s32 s4, s6;
	[dreg:$0x0] =	wrdreg $0x0  }
0xa9: {  	s6 =	sshll.u32 s28, $0x1;
	[dreg:$0x2] =	wrdreg s4  }
0xaa: {  	[dreg:$0x3] =	wrdreg s6  }
0xab: {  	[dreg:$0x4] =	wrdreg $0xC0  }
0xac: {  	_ =	task [dreg:s8], $0x5FFFF  }
0xad: {  	[dreg:$0x1] =	wrdreg $0xFFFFFFFF  }
0xae: {  	[dreg:$0x0] =	wrdreg $0x60  }
0xaf: {  	[dreg:$0x2] =	wrdreg s2  }
0xb0: {  	[dreg:$0x3] =	wrdreg s24  }
0xb1: {  	[dreg:$0x4] =	wrdreg s18  }
0xb2: {  	[dreg:$0x5] =	wrdreg $0x9  }
0xb3: {  	_ =	task.clear_ibuf [dreg:s8], $0x6FFFF;
	_ =	strace $0x90000046  }
0xb4: {  	s29 =	simm.s32 $0x9;
	_ =	strace $0x80000048  }
0xb5: {  	_ =	swait.ge [sflag:s29], $0x1  }
0xb6: {  	[sflag:s29] =	ssyncadd.s32 $0xFFFFFFFF  }
0xb7: {  	_ =	strace $0x90000048  }
0xb8: {  	_ =	sfence  }
0xb9: {  	s30 =	sld [smem:$0x0];
	_ =	sdelay $0x2  }
0xba: {  	s31 =	sshll.u32 s1, $0xD;
	s1 =	sshrl.u32 s1, $0x2  }
0xbb: {  	s3 =	sand.u32 $0x4000, s31;
	s1 =	sadd.s32 s1, s30  }
0xbc: {  	s0 =	sor.u32 s3, s0;
	s1 =	sshll.u32 s1, $0x11  }
0xbd: {  	s0 =	sor.u32 s1, s0  }
0xbe: {  	s0 =	sadd.s32 $0x8F2B, s0  }
0xbf: {  	[sflag:s0] =	ssyncadd.remote.s32 $0x1  }
0xc0: {  	_ =	sfence.sel $0xFFFF  }
0xc1: {  	[dreg:$0x0] =	wrdreg $0xFFFFFFFF;
	(pc) =	sbr.abs _section_cstart, $3  }
0xc2: {  	[dreg:$0x1] =	wrdreg $0xFFFFFFFF  }
0xc3: {  	_ =	task.clear_ibuf [dreg:s8], $0x2FFFF;
	_ =	strace $0x9FFFFFFF  }
0xc4: {  	(tm) =	ssettm $0x7FFFFFFF  }
0xc5: {  	_ =	shalt  }
tec
execute0_lowered:
.L_overlay_start_1:
0x0: {  	(tag) =	ssettag $0x1  }
0x1: {  	s1 =	rddreg [dreg:$0x0]  }
0x2: {  	s2 =	srdreg.scid;
	s4 =	rddreg [dreg:$0x1]  }
0x3: {  	s0 =	stileid.u32;
	s6 =	rddreg [dreg:$0x2]  }
0x4: {  	s17 =	simm.s32 $0x880;
	s18 =	simm.s32 $0x1080;
	s19 =	simm.s32 $0x1880  }
0x5: {  	s20 =	simm.s32 $0x2080;
	s22 =	simm.s32 $0x2880;
	s2 =	sand.u32 $0x1, s2  }
0x6: {  	s23 =	simm.s32 $0x3080;
	s3 =	sshll.u32 s0, $0x6;
	s5 =	sshll.u32 s2, $0x5  }
0x7: {  	s24 =	simm.s32 $0x3880;
	s5 =	sor.u32 s5, s3;
	s3 =	simm.s32 $0x0  }
0x8: {  	s25 =	simm.s32 $0x4080;
	s8 =	simm.s32 $0x4880;
	[smem:$0x7FF] =	sst s3  }
0x9: {  	s9 =	simm.s32 $0x5080;
	_ =	strace $0x80000047;
	[dreg:$0x6] =	wrdreg s17  }
0xa: {  	s10 =	simm.s32 $0x5880;
	s11 =	simm.s32 $0x6080;
	[dreg:$0x7] =	wrdreg s18  }
0xb: {  	s12 =	simm.s32 $0x6880;
	s26 =	simm.s32 $0x7080;
	[dreg:$0x8] =	wrdreg s19  }
0xc: {  	s13 =	simm.s32 $0x80;
	s15 =	simm.s32 $0x8080;
	[dreg:$0x9] =	wrdreg s20  }
0xd: {  	s28 =	simm.s32 $0xE080;
	s29 =	simm.s32 $0xE880;
	[dreg:$0xa] =	wrdreg s22  }
0xe: {  	s30 =	simm.s32 $0xF080;
	s2 =	ssub.s32 $0x2, s2;
	[dreg:$0xb] =	wrdreg s23  }
0xf: {  	s31 =	simm.s32 $0xF880;
	s21 =	sshrl.u32 s2, $0x1;
	[dreg:$0xc] =	wrdreg s24  }
0x10: {  	s7 =	sshrl.u32 s5, $0x3;
	s5 =	sshll.u32 s5, $0x8;
	[dreg:$0xd] =	wrdreg s25  }
0x11: {  	s2 =	ssub.s32 s2, s21;
	s21 =	simm.s32 $0xB080;
	[dreg:$0xe] =	wrdreg s8  }
0x12: {  	s4 =	sadd.s32 s7, s4;
	s16 =	sadd.s32 s6, s5;
	[dreg:$0xf] =	wrdreg s9  }
0x13: {  	s5 =	sadd.s32 $0x200, s1;
	s6 =	sadd.s32 $0x300, s1;
	[dreg:$0x10] =	wrdreg s10  }
0x14: {  	s7 =	sadd.s32 $0x400, s1;
	s8 =	sadd.s32 $0x500, s1;
	[dreg:$0x11] =	wrdreg s11  }
0x15: {  	s9 =	sadd.s32 $0x600, s1;
	s10 =	sadd.s32 $0x700, s1;
	[dreg:$0x12] =	wrdreg s12  }
0x16: {  	s11 =	smax.u32 s2, $0x1;
	s12 =	simm.s32 $0x2;
	[dreg:$0x13] =	wrdreg s26  }
0x17: {  	s17 =	simm.s32 $0x9080;
	s18 =	simm.s32 $0x9880;
	s19 =	simm.s32 $0xA080  }
0x18: {  	s20 =	simm.s32 $0xA880;
	s22 =	simm.s32 $0xB880;
	s23 =	simm.s32 $0xC080  }
0x19: {  	v2 =	vlaneseq.u32;
	s24 =	simm.s32 $0xC880;
	s25 =	simm.s32 $0xD080;
	s26 =	simm.s32 $0xD880  }
0x1a: {  	vm0 =	vmmov $0xffff;
	v1 =	vshrl.u32 v2, $0x3;
	s2 =	simm.s32 $0x1;
	s4 =	sadd.s32 $0x600, s4;
	[dreg:$0x5] =	wrdreg s16  }
0x1b: {  	v0 =	vand.u32 $0x7, v2;
	v2 =	vor.u32 $0x8, v2;
	v1 =	vmul.u32 $0x8, v1;
	s16 =	simm.s32 $0x8880;
	[dreg:$0x4] =	wrdreg s4;
	s4 =	sadd.s32 $0x100, s1  }
.LBB2_1:
0x1c: {  	s0 =	rddreg [dreg:$0x4]  }
0x1d: {  	[tilespmem:s3], [sflag:$0x2] =	stream.linear.gather [hbm4b:s0+s3], $0x20, $0x38;
	[tilespmem:$0x10080] =	vst v63  }
0x1e: {  	_ =	swait.ge [sflag:s12], $0x20  }
0x1f: {  	[sflag:s12] =	ssyncset.done $0x0  }
0x20: {  	[sflag:s12] =	ssyncadd.s32 $0xFFFFFFE0  }
0x21: {  	v3 =	vld [tilespmem:$0x0];
	_ =	sdelay $0x4  }
0x22: {  	v4 =	vshll.u32 v3, $0x4  }
0x23: {  	v3 =	vand.u32 $0x7, v3;
	v4 =	vand.u32 $0xFFFFFF80, v4  }
0x24: {  	v3 =	vor.u32 v3, v4  }
0x25: {  	v4 =	vperm.xlane v3, v0;
	_ =	sdelay $0x1  }
0x26: {  	v4 =	vadd.s32 v1, v4;
	_ =	sdelay $0x4  }
0x27: {  	[tilespmem:s13], [sflag:$0x1] =	stream.indirect_vreg.gather [hbm4b:s1+s3], $0x80, v4, vm0, $0xb8;
	[tilespmem:$0x10080] =	vst v63  }
0x28: {  	s0 =	rddreg [dreg:$0x6]  }
0x29: {  	[tilespmem:s0], [sflag:$0x1] =	stream.indirect_vreg.gather [hbm4b:s4+s3], $0x80, v4, vm0, $0xb8;
	[tilespmem:$0x10080] =	vst v63  }
0x2a: {  	s14 =	rddreg [dreg:$0x7]  }
0x2b: {  	[tilespmem:s14], [sflag:$0x1] =	stream.indirect_vreg.gather [hbm4b:s5+s3], $0x80, v4, vm0, $0xb8;
	[tilespmem:$0x10080] =	vst v63  }
0x2c: {  	s0 =	rddreg [dreg:$0x8]  }
0x2d: {  	[tilespmem:s0], [sflag:$0x1] =	stream.indirect_vreg.gather [hbm4b:s6+s3], $0x80, v4, vm0, $0xb8;
	[tilespmem:$0x10080] =	vst v63  }
0x2e: {  	s14 =	rddreg [dreg:$0x9]  }
0x2f: {  	[tilespmem:s14], [sflag:$0x1] =	stream.indirect_vreg.gather [hbm4b:s7+s3], $0x80, v4, vm0, $0xb8;
	[tilespmem:$0x10080] =	vst v63  }
0x30: {  	v3 =	vperm.xlane v3, v2;
	s0 =	rddreg [dreg:$0xa]  }
0x31: {  	[tilespmem:s0], [sflag:$0x1] =	stream.indirect_vreg.gather [hbm4b:s8+s3], $0x80, v4, vm0, $0xb8;
	[tilespmem:$0x10080] =	vst v63  }
0x32: {  	v3 =	vadd.s32 v1, v3;
	s14 =	rddreg [dreg:$0xb]  }
0x33: {  	[tilespmem:s14], [sflag:$0x1] =	stream.indirect_vreg.gather [hbm4b:s9+s3], $0x80, v4, vm0, $0xb8;
	[tilespmem:$0x10080] =	vst v63  }
0x34: {  	s0 =	rddreg [dreg:$0xc]  }
0x35: {  	[tilespmem:s0], [sflag:$0x1] =	stream.indirect_vreg.gather [hbm4b:s10+s3], $0x80, v4, vm0, $0xb8;
	[tilespmem:$0x10080] =	vst v63  }
0x36: {  	s14 =	rddreg [dreg:$0xd]  }
0x37: {  	[tilespmem:s14], [sflag:$0x1] =	stream.indirect_vreg.gather [hbm4b:s1+s3], $0x80, v3, vm0, $0xb8;
	[tilespmem:$0x10080] =	vst v63  }
0x38: {  	s0 =	rddreg [dreg:$0xe]  }
0x39: {  	[tilespmem:s0], [sflag:$0x1] =	stream.indirect_vreg.gather [hbm4b:s4+s3], $0x80, v3, vm0, $0xb8;
	[tilespmem:$0x10080] =	vst v63  }
0x3a: {  	s14 =	rddreg [dreg:$0xf]  }
0x3b: {  	[tilespmem:s14], [sflag:$0x1] =	stream.indirect_vreg.gather [hbm4b:s5+s3], $0x80, v3, vm0, $0xb8;
	[tilespmem:$0x10080] =	vst v63  }
0x3c: {  	s0 =	rddreg [dreg:$0x10]  }
0x3d: {  	[tilespmem:s0], [sflag:$0x1] =	stream.indirect_vreg.gather [hbm4b:s6+s3], $0x80, v3, vm0, $0xb8;
	[tilespmem:$0x10080] =	vst v63  }
0x3e: {  	s14 =	rddreg [dreg:$0x11]  }
0x3f: {  	[tilespmem:s14], [sflag:$0x1] =	stream.indirect_vreg.gather [hbm4b:s7+s3], $0x80, v3, vm0, $0xb8;
	[tilespmem:$0x10080] =	vst v63  }
0x40: {  	s0 =	rddreg [dreg:$0x12]  }
0x41: {  	[tilespmem:s0], [sflag:$0x1] =	stream.indirect_vreg.gather [hbm4b:s8+s3], $0x80, v3, vm0, $0xb8;
	[tilespmem:$0x10080] =	vst v63  }
0x42: {  	s14 =	rddreg [dreg:$0x13]  }
0x43: {  	[tilespmem:s14], [sflag:$0x1] =	stream.indirect_vreg.gather [hbm4b:s9+s3], $0x80, v3, vm0, $0xb8;
	[tilespmem:$0x10080] =	vst v63  }
0x44: {  	s14 =	simm.s32 $0x7880  }
0x45: {  	[tilespmem:s14], [sflag:$0x1] =	stream.indirect_vreg.gather [hbm4b:s10+s3], $0x80, v3, vm0, $0xb8;
	[tilespmem:$0x10080] =	vst v63  }
0x46: {  	v3 =	vld [tilespmem:$0x10];
	_ =	sdelay $0x4  }
0x47: {  	v63 =	vshll.u32 v3, $0x4  }
0x48: {  	v3 =	vand.u32 $0x7, v3;
	v4 =	vand.u32 $0xFFFFFF80, v63  }
0x49: {  	v3 =	vor.u32 v3, v4  }
0x4a: {  	v4 =	vperm.xlane v3, v0;
	_ =	sdelay $0x1  }
0x4b: {  	v4 =	vadd.s32 v1, v4;
	_ =	sdelay $0x4  }
0x4c: {  	[tilespmem:s15], [sflag:$0x1] =	stream.indirect_vreg.gather [hbm4b:s1+s3], $0x80, v4, vm0, $0xb8;
	[tilespmem:$0x10080] =	vst v63  }
0x4d: {  	_ = 	snop  }
0x4e: {  	[tilespmem:s16], [sflag:$0x1] =	stream.indirect_vreg.gather [hbm4b:s4+s3], $0x80, v4, vm0, $0xb8;
	[tilespmem:$0x10080] =	vst v63  }
0x4f: {  	_ = 	snop  }
0x50: {  	[tilespmem:s17], [sflag:$0x1] =	stream.indirect_vreg.gather [hbm4b:s5+s3], $0x80, v4, vm0, $0xb8;
	[tilespmem:$0x10080] =	vst v63  }
0x51: {  	_ = 	snop  }
0x52: {  	[tilespmem:s18], [sflag:$0x1] =	stream.indirect_vreg.gather [hbm4b:s6+s3], $0x80, v4, vm0, $0xb8;
	[tilespmem:$0x10080] =	vst v63  }
0x53: {  	_ = 	snop  }
0x54: {  	[tilespmem:s19], [sflag:$0x1] =	stream.indirect_vreg.gather [hbm4b:s7+s3], $0x80, v4, vm0, $0xb8;
	[tilespmem:$0x10080] =	vst v63  }
0x55: {  	v3 =	vperm.xlane v3, v2  }
0x56: {  	[tilespmem:s20], [sflag:$0x1] =	stream.indirect_vreg.gather [hbm4b:s8+s3], $0x80, v4, vm0, $0xb8;
	[tilespmem:$0x10080] =	vst v63  }
0x57: {  	v3 =	vadd.s32 v1, v3  }
0x58: {  	[tilespmem:s21], [sflag:$0x1] =	stream.indirect_vreg.gather [hbm4b:s9+s3], $0x80, v4, vm0, $0xb8;
	[tilespmem:$0x10080] =	vst v63  }
0x59: {  	_ = 	snop  }
0x5a: {  	[tilespmem:s22], [sflag:$0x1] =	stream.indirect_vreg.gather [hbm4b:s10+s3], $0x80, v4, vm0, $0xb8;
	[tilespmem:$0x10080] =	vst v63  }
0x5b: {  	_ = 	snop  }
0x5c: {  	[tilespmem:s23], [sflag:$0x1] =	stream.indirect_vreg.gather [hbm4b:s1+s3], $0x80, v3, vm0, $0xb8;
	[tilespmem:$0x10080] =	vst v63  }
0x5d: {  	_ = 	snop  }
0x5e: {  	[tilespmem:s24], [sflag:$0x1] =	stream.indirect_vreg.gather [hbm4b:s4+s3], $0x80, v3, vm0, $0xb8;
	[tilespmem:$0x10080] =	vst v63  }
0x5f: {  	_ = 	snop  }
0x60: {  	[tilespmem:s25], [sflag:$0x1] =	stream.indirect_vreg.gather [hbm4b:s5+s3], $0x80, v3, vm0, $0xb8;
	[tilespmem:$0x10080] =	vst v63  }
0x61: {  	_ = 	snop  }
0x62: {  	[tilespmem:s26], [sflag:$0x1] =	stream.indirect_vreg.gather [hbm4b:s6+s3], $0x80, v3, vm0, $0xb8;
	[tilespmem:$0x10080] =	vst v63  }
0x63: {  	_ = 	snop  }
0x64: {  	[tilespmem:s28], [sflag:$0x1] =	stream.indirect_vreg.gather [hbm4b:s7+s3], $0x80, v3, vm0, $0xb8;
	[tilespmem:$0x10080] =	vst v63  }
0x65: {  	_ = 	snop  }
0x66: {  	[tilespmem:s29], [sflag:$0x1] =	stream.indirect_vreg.gather [hbm4b:s8+s3], $0x80, v3, vm0, $0xb8;
	[tilespmem:$0x10080] =	vst v63  }
0x67: {  	_ = 	snop  }
0x68: {  	[tilespmem:s30], [sflag:$0x1] =	stream.indirect_vreg.gather [hbm4b:s9+s3], $0x80, v3, vm0, $0xb8;
	[tilespmem:$0x10080] =	vst v63  }
0x69: {  	_ = 	snop  }
0x6a: {  	[tilespmem:s31], [sflag:$0x1] =	stream.indirect_vreg.gather [hbm4b:s10+s3], $0x80, v3, vm0, $0xb8;
	[tilespmem:$0x10080] =	vst v63  }
0x6b: {  	_ =	swait.ge [sflag:s2], $0x10000  }
0x6c: {  	p0 =	sne.s32 s11, $0x1;
	[sflag:s2] =	ssyncset.done $0x0  }
.Ltmp0:
0x6d: {  	s14 =	rddreg [dreg:$0x5];
	[sflag:s2] =	ssyncadd.s32 $0xFFFF0000;
	(pc) =	sbr.rel @p0 .LBB2_1-.Ltmp0, $4  }
0x6e: {  	[hbm4b:s14+s3] =	stream.linear.scatter [tilespmem:s13], [sflag:$0x2], $0x10000, $0x38;
	[tilespmem:$0x10080] =	vst v63  }
0x6f: {  	_ =	swait.ge [sflag:s12], $0x10000  }
0x70: {  	[sflag:s12] =	ssyncset.done $0x0  }
0x71: {  	s11 =	sadd.s32 $0xFFFFFFFF, s11;
	[sflag:s12] =	ssyncadd.s32 $0xFFFF0000  }
0x72: {  	_ =	sfence.sel $0x180000  }
0x73: {  	[bflag:$0x0] =	sbarrier.arrive $0xFFFF  }
0x74: {  	_ =	strace $0x90000047  }
0x75: {  	s0 =	stileid.u32;
	[bflag:$0x2] =	sbarrier.arrive $0xFFFF  }
0x76: {  	p0 =	sne.s32 s0, $0x0;
	s0 =	rddreg [dreg:$0x3]  }
0x77: {  	s0 =	sadd.s32 @!p0 $0x100000, s0  }
0x78: {  	[sflag:s0] =	ssyncadd.tile.s32 @!p0 $0x1;
	_ =	shalt  }
.Lfunc_end2:
_tile_overlayer_lowered:
.L_overlay_start_2:
0x79: {  	(tag) =	ssettag $0x2  }
0x7a: {  	s0 =	rddreg [dreg:$0x0];
	s2 =	stileid.u32  }
0x7b: {  	s1 =	rddreg [dreg:$0x1];
	p0 =	sne.s32 s2, $0x0  }
0x7c: {  	s3 =	rddreg [dreg:$0x2];
	[bflag:$0x3] =	sbarrier.arrive $0xFFFF;
	s2 =	simm.s32 @!p0 $0x1C02  }
0x7d: {  	[timem:s3], [sflag:s2] =	dma.local @!p0 [hbm:s0], s1  }
0x7e: {  	s0 =	simm.s32 @!p0 $0x2  }
0x7f: {  	_ =	swait.ge @!p0 [sflag:s0], s1  }
0x80: {  	s1 =	ssub.s32 @!p0 $0x0, s1;
	[sflag:s0] =	ssyncset.done @!p0 $0x0  }
0x81: {  	[sflag:s0] =	ssyncadd.s32 @!p0 s1  }
0x82: {  	[bflag:$0x3] =	sbarrier.arrive $0xFFFF  }
0x83: {  	_ =	shalt  }

</sc_bundles>
